<compile_context>
chip_gen: v7x
topology: tpu7x:2x2x1
jax: 0.10.2.dev20260603
libtpu: 0.0.44.dev20260713+nightly
codegen_flags: <defaults>
</compile_context>

<pallas_src>
import dataclasses
import functools

import jax
import jax.numpy as jnp
from jax import lax
from jax.experimental import pallas as pl
from jax.experimental.pallas import tpu as pltpu
from jax.experimental.pallas import tpu_sc as plsc

K = 1024
D = 32
N = 65536

BN = 2048

SC_CORES = 2
SC_SUBCORES = 16
NW = SC_CORES * SC_SUBCORES
B_PER_W = N // NW


def _argmin_body(xt_ref, c_ref, ids_ref):
    xt = xt_ref[...]
    c = c_ref[...]
    c2 = jnp.sum(c * c, axis=1, keepdims=True)
    x2 = jnp.sum(xt * xt, axis=0, keepdims=True)
    s = lax.dot_general(
        c.astype(jnp.bfloat16), xt.astype(jnp.bfloat16),
        (((1,), (0,)), ((), ())),
        preferred_element_type=jnp.float32,
    )
    dist = (c2 + x2) - 2.0 * s
    ids_ref[...] = jnp.argmin(dist, axis=0).astype(jnp.int32).reshape(1, 1, BN)


def _compute_ids(inputs_t, clusters, ns, off):
    blk_off = off // BN
    return pl.pallas_call(
        _argmin_body,
        grid=(ns // BN,),
        in_specs=[
            pl.BlockSpec((D, BN), lambda i: (0, i + blk_off)),
            pl.BlockSpec((K, D), lambda i: (0, 0)),
        ],
        out_specs=pl.BlockSpec((1, 1, BN), lambda i: (i, 0, 0)),
        out_shape=jax.ShapeDtypeStruct((ns // BN, 1, BN), jnp.int32),
    )(inputs_t, clusters)


PADW = 128
CHUNK = 256
NCHUNK = B_PER_W // CHUNK


def _sc_gather(table_pad, idx, ns):
    b_per_w = ns // NW
    nchunk = b_per_w // CHUNK
    """clusters[idx] on the SparseCore via the stream engine.

    The table is padded to 128-lane rows so the indirect-stream gather's
    slice size matches the HBM tiling. Each of the 32 vector subcores
    gathers its 1/32 slice of tokens in 512-row chunks straight from HBM
    into TileSpmem and streams them back out to a padded [N, 128] output
    (sliced back to [N, 32] outside the kernel).
    """
    mesh = plsc.VectorSubcoreMesh(core_axis_name="c", subcore_axis_name="s")
    cp = pltpu.CompilerParams()
    if "needs_layout_passes" in pltpu.CompilerParams.__dataclass_fields__:
        cp = dataclasses.replace(cp, needs_layout_passes=False)

    @functools.partial(
        pl.kernel,
        mesh=mesh,
        compiler_params=cp,
        out_type=jax.ShapeDtypeStruct((ns, PADW), jnp.float32),
        scratch_types=[
            pltpu.VMEM((b_per_w,), jnp.int32),
            pltpu.VMEM((CHUNK, PADW), jnp.float32),
            pltpu.VMEM((CHUNK, PADW), jnp.float32),
            pltpu.SemaphoreType.DMA,
            pltpu.SemaphoreType.DMA,
        ],
    )
    def k(table_hbm, idx_hbm, out_hbm, idx_v, rows_a, rows_b,
          sem_a, sem_b):
        wid = lax.axis_index("s") * SC_CORES + lax.axis_index("c")
        base = wid * b_per_w
        pltpu.sync_copy(idx_hbm.at[pl.ds(base, b_per_w)], idx_v)

        bufs = (rows_a, rows_b)
        sems = (sem_a, sem_b)

        def gather(c):
            return pltpu.async_copy(
                table_hbm.at[idx_v.at[pl.ds(c * CHUNK, CHUNK)]],
                bufs[c % 2], sems[c % 2])

        cps = {0: gather(0)}
        for c in range(nchunk):
            if c + 1 < nchunk:
                cps[c + 1] = gather(c + 1)
            cps[c].wait()
            pltpu.sync_copy(
                bufs[c % 2], out_hbm.at[pl.ds(base + c * CHUNK, CHUNK), :])

    return k(table_pad, idx)


NSLICE = 4


def kernel(inputs, clusters):
    xt = inputs.T
    table_pad = jnp.pad(clusters, ((0, 0), (0, PADW - D)))
    ns = N // NSLICE
    ids_parts, cent_parts = [], []
    for si in range(NSLICE):
        ids_s = _compute_ids(xt, clusters, ns, si * ns).reshape(ns)
        cents_s = _sc_gather(table_pad, ids_s, ns)[:, :D]
        ids_parts.append(ids_s)
        cent_parts.append(cents_s)
    return (jnp.concatenate(ids_parts),
            jnp.concatenate(cent_parts, axis=0))

# --- scband reference (transcript-rebuilt; emitter-appended) ---
"""Pipeline reference for scband-kmean-layer-35175782154734 (READ-ONLY COPY).

The authoritative reference and input builder live on the scoring server;
editing this copy changes nothing except your own understanding.
"""

import jax, jax.numpy as jnp
import numpy as np

K = 1024
D = 32
N = 65536


def setup_inputs(seed: int = 0) -> dict:
    key = jax.random.key(seed)
    k1, k2 = jax.random.split(key)
    inputs = jax.random.normal(k1, (N, D), dtype=jnp.float32)
    clusters = jax.random.normal(k2, (K, D), dtype=jnp.float32)
    return {"inputs": inputs, "clusters": clusters}


def _pairwise_sq_dist(centroids, x):
    # Same math as tf.reduce_sum(squared_difference(x, centroids[:, None]), -1)
    # expanded to avoid materializing the [K, N, D] broadcast tensor.
    x2 = jnp.sum(x * x, axis=1)          # [N]
    c2 = jnp.sum(centroids * centroids, axis=1)  # [K]
    return c2[:, None] + x2[None, :] - 2.0 * (centroids @ x.T)  # [K, N]


def reference(inputs, clusters):
    # kmean_operator forward
    centroid_distance = _pairwise_sq_dist(clusters, inputs)          # [K, N]
    x_centroid_ids = jnp.argmin(centroid_distance, axis=0)          # [N]
    x_centroids = jnp.take(clusters, x_centroid_ids, axis=0)        # [N, D]
    # KMeanLayer.call returns (centroid_ids, centroids); debug metrics are
    # side-effect-only (add_metric) and do not change the outputs.
    return (x_centroid_ids, x_centroids)

if __name__ == "__main__":
    import jax
    _d = setup_inputs()
    print(jax.jit(kernel)(*tuple(_d.values())))

</pallas_src>

<mosaic_0001>
#map = affine_map<(d0, d1) -> (0, 0)>
#map1 = affine_map<(d0, d1) -> (0)>
module attributes {stable_mosaic.version = 14 : i64} {
  func.func @k(%arg0: i32, %arg1: i32, %arg2: memref<1024x128xf32, #tpu.memory_space<hbm>>, %arg3: memref<16384xi32, #tpu.memory_space<hbm>>, %arg4: memref<16384x128xf32, #tpu.memory_space<hbm>>, %arg5: memref<512xi32, #tpu.memory_space<vmem>>, %arg6: memref<256x128xf32, #tpu.memory_space<vmem>>, %arg7: memref<256x128xf32, #tpu.memory_space<vmem>>, %arg8: memref<!tpu.dma_semaphore, #tpu.memory_space<semaphore_mem>>, %arg9: memref<!tpu.dma_semaphore, #tpu.memory_space<semaphore_mem>>) attributes {dimension_semantics = [#tpu.dimension_semantics<core_parallel>, #tpu.dimension_semantics<subcore_parallel>], iteration_bounds = array<i64: 2, 16>, scalar_prefetch = 0 : i64, scratch_operands = 5 : i64, tpu.core_type = #tpu.core_type<sc_vector_subcore>, window_params = [{transform_indices = #map}, {transform_indices = #map1}, {transform_indices = #map}]} {
    %mul3A = arith.constant 2 : i32
    %mul3A_0 = arith.muli %arg1, %mul3A : i32
    %add3A = arith.addi %mul3A_0, %arg0 : i32
    %mul3A_1 = arith.constant 512 : i32
    %mul3A_2 = arith.muli %add3A, %mul3A_1 : i32
    "tpu.region"() ({
      %run_scoped3A = tpu.sem_alloc : memref<!tpu.dma_semaphore, #tpu.memory_space<semaphore_mem>>
      %dma_start3A_25 = tpu.memref_slice %arg3[%mul3A_2] : memref<16384xi32, #tpu.memory_space<hbm>> -> memref<512xi32, #tpu.memory_space<hbm>>
      %dma_start3A_26 = tpu.memref_slice %arg3[%mul3A_2] : memref<16384xi32, #tpu.memory_space<hbm>> -> memref<512xi32, #tpu.memory_space<hbm>>
      tpu.enqueue_dma source(%dma_start3A_26 : memref<512xi32, #tpu.memory_space<hbm>>) target(%arg5 : memref<512xi32, #tpu.memory_space<vmem>>) target_semaphore(%run_scoped3A : memref<!tpu.dma_semaphore, #tpu.memory_space<semaphore_mem>>)
      %dma_wait3A_27 = tpu.memref_slice %arg3[%mul3A_2] : memref<16384xi32, #tpu.memory_space<hbm>> -> memref<512xi32, #tpu.memory_space<hbm>>
      %dma_wait3A_28 = tpu.memref_slice %arg3[%mul3A_2] : memref<16384xi32, #tpu.memory_space<hbm>> -> memref<512xi32, #tpu.memory_space<hbm>>
      tpu.wait_dma2 semaphore(%run_scoped3A : memref<!tpu.dma_semaphore, #tpu.memory_space<semaphore_mem>>) src(%dma_wait3A_28 : memref<512xi32, #tpu.memory_space<hbm>>) dst(%arg5 : memref<512xi32, #tpu.memory_space<vmem>>)
      tpu.yield
    }) : () -> ()
    %dma_start3A = arith.constant 0 : i32
    %dma_start3A_3 = tpu.memref_slice %arg5[%dma_start3A] : memref<512xi32, #tpu.memory_space<vmem>> -> memref<256xi32, #tpu.memory_space<vmem>>
    %dma_start3A_4 = arith.constant 0 : i32
    %dma_start3A_5 = arith.constant 0 : i32
    %dma_start3A_6 = tpu.memref_slice %arg2[%dma_start3A_4, %dma_start3A_5] : memref<1024x128xf32, #tpu.memory_space<hbm>> -> memref<1024x128xf32, #tpu.memory_space<hbm>>
    tpu.enqueue_indirect_dma source(%dma_start3A_6 : memref<1024x128xf32, #tpu.memory_space<hbm>>) target(%arg6 : memref<256x128xf32, #tpu.memory_space<vmem>>) offsets(%dma_start3A_3 : memref<256xi32, #tpu.memory_space<vmem>>) semaphore(%arg8 : memref<!tpu.dma_semaphore, #tpu.memory_space<semaphore_mem>>)
    %dma_start3A_7 = arith.constant 256 : i32
    %dma_start3A_8 = tpu.memref_slice %arg5[%dma_start3A_7] : memref<512xi32, #tpu.memory_space<vmem>> -> memref<256xi32, #tpu.memory_space<vmem>>
    %dma_start3A_9 = arith.constant 0 : i32
    %dma_start3A_10 = arith.constant 0 : i32
    %dma_start3A_11 = tpu.memref_slice %arg2[%dma_start3A_9, %dma_start3A_10] : memref<1024x128xf32, #tpu.memory_space<hbm>> -> memref<1024x128xf32, #tpu.memory_space<hbm>>
    tpu.enqueue_indirect_dma source(%dma_start3A_11 : memref<1024x128xf32, #tpu.memory_space<hbm>>) target(%arg7 : memref<256x128xf32, #tpu.memory_space<vmem>>) offsets(%dma_start3A_8 : memref<256xi32, #tpu.memory_space<vmem>>) semaphore(%arg9 : memref<!tpu.dma_semaphore, #tpu.memory_space<semaphore_mem>>)
    %dma_wait3A = arith.constant 0 : i32
    %dma_wait3A_12 = tpu.memref_slice %arg5[%dma_wait3A] : memref<512xi32, #tpu.memory_space<vmem>> -> memref<256xi32, #tpu.memory_space<vmem>>
    %dma_wait3A_13 = arith.constant 0 : i32
    %dma_wait3A_14 = arith.constant 0 : i32
    %dma_wait3A_15 = tpu.memref_slice %arg2[%dma_wait3A_13, %dma_wait3A_14] : memref<1024x128xf32, #tpu.memory_space<hbm>> -> memref<1024x128xf32, #tpu.memory_space<hbm>>
    tpu.wait_indirect_dma semaphore(%arg8 : memref<!tpu.dma_semaphore, #tpu.memory_space<semaphore_mem>>) src(%dma_wait3A_15 : memref<1024x128xf32, #tpu.memory_space<hbm>>) dst(%arg6 : memref<256x128xf32, #tpu.memory_space<vmem>>)
    %add3A_16 = arith.constant 0 : i32
    %add3A_17 = arith.addi %mul3A_2, %add3A_16 : i32
    "tpu.region"() ({
      %run_scoped3A = tpu.sem_alloc : memref<!tpu.dma_semaphore, #tpu.memory_space<semaphore_mem>>
      %dma_start3A_25 = arith.constant 0 : i32
      %dma_start3A_26 = tpu.memref_slice %arg4[%add3A_17, %dma_start3A_25] : memref<16384x128xf32, #tpu.memory_space<hbm>> -> memref<256x128xf32, #tpu.memory_space<hbm>>
      %dma_start3A_27 = arith.constant 0 : i32
      %dma_start3A_28 = tpu.memref_slice %arg4[%add3A_17, %dma_start3A_27] : memref<16384x128xf32, #tpu.memory_space<hbm>> -> memref<256x128xf32, #tpu.memory_space<hbm>>
      tpu.enqueue_dma source(%arg6 : memref<256x128xf32, #tpu.memory_space<vmem>>) target(%dma_start3A_28 : memref<256x128xf32, #tpu.memory_space<hbm>>) target_semaphore(%run_scoped3A : memref<!tpu.dma_semaphore, #tpu.memory_space<semaphore_mem>>)
      %dma_wait3A_29 = arith.constant 0 : i32
      %dma_wait3A_30 = tpu.memref_slice %arg4[%add3A_17, %dma_wait3A_29] : memref<16384x128xf32, #tpu.memory_space<hbm>> -> memref<256x128xf32, #tpu.memory_space<hbm>>
      %dma_wait3A_31 = arith.constant 0 : i32
      %dma_wait3A_32 = tpu.memref_slice %arg4[%add3A_17, %dma_wait3A_31] : memref<16384x128xf32, #tpu.memory_space<hbm>> -> memref<256x128xf32, #tpu.memory_space<hbm>>
      tpu.wait_dma2 semaphore(%run_scoped3A : memref<!tpu.dma_semaphore, #tpu.memory_space<semaphore_mem>>) src(%arg6 : memref<256x128xf32, #tpu.memory_space<vmem>>) dst(%dma_wait3A_32 : memref<256x128xf32, #tpu.memory_space<hbm>>)
      tpu.yield
    }) : () -> ()
    %dma_wait3A_18 = arith.constant 256 : i32
    %dma_wait3A_19 = tpu.memref_slice %arg5[%dma_wait3A_18] : memref<512xi32, #tpu.memory_space<vmem>> -> memref<256xi32, #tpu.memory_space<vmem>>
    %dma_wait3A_20 = arith.constant 0 : i32
    %dma_wait3A_21 = arith.constant 0 : i32
    %dma_wait3A_22 = tpu.memref_slice %arg2[%dma_wait3A_20, %dma_wait3A_21] : memref<1024x128xf32, #tpu.memory_space<hbm>> -> memref<1024x128xf32, #tpu.memory_space<hbm>>
    tpu.wait_indirect_dma semaphore(%arg9 : memref<!tpu.dma_semaphore, #tpu.memory_space<semaphore_mem>>) src(%dma_wait3A_22 : memref<1024x128xf32, #tpu.memory_space<hbm>>) dst(%arg7 : memref<256x128xf32, #tpu.memory_space<vmem>>)
    %add3A_23 = arith.constant 256 : i32
    %add3A_24 = arith.addi %mul3A_2, %add3A_23 : i32
    "tpu.region"() ({
      %run_scoped3A = tpu.sem_alloc : memref<!tpu.dma_semaphore, #tpu.memory_space<semaphore_mem>>
      %dma_start3A_25 = arith.constant 0 : i32
      %dma_start3A_26 = tpu.memref_slice %arg4[%add3A_24, %dma_start3A_25] : memref<16384x128xf32, #tpu.memory_space<hbm>> -> memref<256x128xf32, #tpu.memory_space<hbm>>
      %dma_start3A_27 = arith.constant 0 : i32
      %dma_start3A_28 = tpu.memref_slice %arg4[%add3A_24, %dma_start3A_27] : memref<16384x128xf32, #tpu.memory_space<hbm>> -> memref<256x128xf32, #tpu.memory_space<hbm>>
      tpu.enqueue_dma source(%arg7 : memref<256x128xf32, #tpu.memory_space<vmem>>) target(%dma_start3A_28 : memref<256x128xf32, #tpu.memory_space<hbm>>) target_semaphore(%run_scoped3A : memref<!tpu.dma_semaphore, #tpu.memory_space<semaphore_mem>>)
      %dma_wait3A_29 = arith.constant 0 : i32
      %dma_wait3A_30 = tpu.memref_slice %arg4[%add3A_24, %dma_wait3A_29] : memref<16384x128xf32, #tpu.memory_space<hbm>> -> memref<256x128xf32, #tpu.memory_space<hbm>>
      %dma_wait3A_31 = arith.constant 0 : i32
      %dma_wait3A_32 = tpu.memref_slice %arg4[%add3A_24, %dma_wait3A_31] : memref<16384x128xf32, #tpu.memory_space<hbm>> -> memref<256x128xf32, #tpu.memory_space<hbm>>
      tpu.wait_dma2 semaphore(%run_scoped3A : memref<!tpu.dma_semaphore, #tpu.memory_space<semaphore_mem>>) src(%arg7 : memref<256x128xf32, #tpu.memory_space<vmem>>) dst(%dma_wait3A_32 : memref<256x128xf32, #tpu.memory_space<hbm>>)
      tpu.yield
    }) : () -> ()
    return
  }
}

#map = affine_map<(d0, d1) -> (0, 0)>
#map1 = affine_map<(d0, d1) -> (0)>
module attributes {stable_mosaic.version = 14 : i64} {
  func.func @k(%arg0: i32, %arg1: i32, %arg2: memref<1024x128xf32, #tpu.memory_space<hbm>>, %arg3: memref<16384xi32, #tpu.memory_space<hbm>>, %arg4: memref<16384x128xf32, #tpu.memory_space<hbm>>, %arg5: memref<512xi32, #tpu.memory_space<vmem>>, %arg6: memref<256x128xf32, #tpu.memory_space<vmem>>, %arg7: memref<256x128xf32, #tpu.memory_space<vmem>>, %arg8: memref<!tpu.dma_semaphore, #tpu.memory_space<semaphore_mem>>, %arg9: memref<!tpu.dma_semaphore, #tpu.memory_space<semaphore_mem>>) attributes {dimension_semantics = [#tpu.dimension_semantics<core_parallel>, #tpu.dimension_semantics<subcore_parallel>], iteration_bounds = array<i64: 2, 16>, scalar_prefetch = 0 : i64, scratch_operands = 5 : i64, tpu.core_type = #tpu.core_type<sc_vector_subcore>, window_params = [{transform_indices = #map}, {transform_indices = #map1}, {transform_indices = #map}]} {
    %mul3A = arith.constant 2 : i32
    %mul3A_0 = arith.muli %arg1, %mul3A : i32
    %add3A = arith.addi %mul3A_0, %arg0 : i32
    %mul3A_1 = arith.constant 512 : i32
    %mul3A_2 = arith.muli %add3A, %mul3A_1 : i32
    "tpu.region"() ({
      %run_scoped3A = tpu.sem_alloc : memref<!tpu.dma_semaphore, #tpu.memory_space<semaphore_mem>>
      %dma_start3A_25 = tpu.memref_slice %arg3[%mul3A_2] : memref<16384xi32, #tpu.memory_space<hbm>> -> memref<512xi32, #tpu.memory_space<hbm>>
      %dma_start3A_26 = tpu.memref_slice %arg3[%mul3A_2] : memref<16384xi32, #tpu.memory_space<hbm>> -> memref<512xi32, #tpu.memory_space<hbm>>
      tpu.enqueue_dma source(%dma_start3A_26 : memref<512xi32, #tpu.memory_space<hbm>>) target(%arg5 : memref<512xi32, #tpu.memory_space<vmem>>) target_semaphore(%run_scoped3A : memref<!tpu.dma_semaphore, #tpu.memory_space<semaphore_mem>>)
      %dma_wait3A_27 = tpu.memref_slice %arg3[%mul3A_2] : memref<16384xi32, #tpu.memory_space<hbm>> -> memref<512xi32, #tpu.memory_space<hbm>>
      %dma_wait3A_28 = tpu.memref_slice %arg3[%mul3A_2] : memref<16384xi32, #tpu.memory_space<hbm>> -> memref<512xi32, #tpu.memory_space<hbm>>
      tpu.wait_dma2 semaphore(%run_scoped3A : memref<!tpu.dma_semaphore, #tpu.memory_space<semaphore_mem>>) src(%dma_wait3A_28 : memref<512xi32, #tpu.memory_space<hbm>>) dst(%arg5 : memref<512xi32, #tpu.memory_space<vmem>>)
      tpu.yield
    }) : () -> ()
    %dma_start3A = arith.constant 0 : i32
    %dma_start3A_3 = tpu.memref_slice %arg5[%dma_start3A] : memref<512xi32, #tpu.memory_space<vmem>> -> memref<256xi32, #tpu.memory_space<vmem>>
    %dma_start3A_4 = arith.constant 0 : i32
    %dma_start3A_5 = arith.constant 0 : i32
    %dma_start3A_6 = tpu.memref_slice %arg2[%dma_start3A_4, %dma_start3A_5] : memref<1024x128xf32, #tpu.memory_space<hbm>> -> memref<1024x128xf32, #tpu.memory_space<hbm>>
    tpu.enqueue_indirect_dma source(%dma_start3A_6 : memref<1024x128xf32, #tpu.memory_space<hbm>>) target(%arg6 : memref<256x128xf32, #tpu.memory_space<vmem>>) offsets(%dma_start3A_3 : memref<256xi32, #tpu.memory_space<vmem>>) semaphore(%arg8 : memref<!tpu.dma_semaphore, #tpu.memory_space<semaphore_mem>>)
    %dma_start3A_7 = arith.constant 256 : i32
    %dma_start3A_8 = tpu.memref_slice %arg5[%dma_start3A_7] : memref<512xi32, #tpu.memory_space<vmem>> -> memref<256xi32, #tpu.memory_space<vmem>>
    %dma_start3A_9 = arith.constant 0 : i32
    %dma_start3A_10 = arith.constant 0 : i32
    %dma_start3A_11 = tpu.memref_slice %arg2[%dma_start3A_9, %dma_start3A_10] : memref<1024x128xf32, #tpu.memory_space<hbm>> -> memref<1024x128xf32, #tpu.memory_space<hbm>>
    tpu.enqueue_indirect_dma source(%dma_start3A_11 : memref<1024x128xf32, #tpu.memory_space<hbm>>) target(%arg7 : memref<256x128xf32, #tpu.memory_space<vmem>>) offsets(%dma_start3A_8 : memref<256xi32, #tpu.memory_space<vmem>>) semaphore(%arg9 : memref<!tpu.dma_semaphore, #tpu.memory_space<semaphore_mem>>)
    %dma_wait3A = arith.constant 0 : i32
    %dma_wait3A_12 = tpu.memref_slice %arg5[%dma_wait3A] : memref<512xi32, #tpu.memory_space<vmem>> -> memref<256xi32, #tpu.memory_space<vmem>>
    %dma_wait3A_13 = arith.constant 0 : i32
    %dma_wait3A_14 = arith.constant 0 : i32
    %dma_wait3A_15 = tpu.memref_slice %arg2[%dma_wait3A_13, %dma_wait3A_14] : memref<1024x128xf32, #tpu.memory_space<hbm>> -> memref<1024x128xf32, #tpu.memory_space<hbm>>
    tpu.wait_indirect_dma semaphore(%arg8 : memref<!tpu.dma_semaphore, #tpu.memory_space<semaphore_mem>>) src(%dma_wait3A_15 : memref<1024x128xf32, #tpu.memory_space<hbm>>) dst(%arg6 : memref<256x128xf32, #tpu.memory_space<vmem>>)
    %add3A_16 = arith.constant 0 : i32
    %add3A_17 = arith.addi %mul3A_2, %add3A_16 : i32
    "tpu.region"() ({
      %run_scoped3A = tpu.sem_alloc : memref<!tpu.dma_semaphore, #tpu.memory_space<semaphore_mem>>
      %dma_start3A_25 = arith.constant 0 : i32
      %dma_start3A_26 = tpu.memref_slice %arg4[%add3A_17, %dma_start3A_25] : memref<16384x128xf32, #tpu.memory_space<hbm>> -> memref<256x128xf32, #tpu.memory_space<hbm>>
      %dma_start3A_27 = arith.constant 0 : i32
      %dma_start3A_28 = tpu.memref_slice %arg4[%add3A_17, %dma_start3A_27] : memref<16384x128xf32, #tpu.memory_space<hbm>> -> memref<256x128xf32, #tpu.memory_space<hbm>>
      tpu.enqueue_dma source(%arg6 : memref<256x128xf32, #tpu.memory_space<vmem>>) target(%dma_start3A_28 : memref<256x128xf32, #tpu.memory_space<hbm>>) target_semaphore(%run_scoped3A : memref<!tpu.dma_semaphore, #tpu.memory_space<semaphore_mem>>)
      %dma_wait3A_29 = arith.constant 0 : i32
      %dma_wait3A_30 = tpu.memref_slice %arg4[%add3A_17, %dma_wait3A_29] : memref<16384x128xf32, #tpu.memory_space<hbm>> -> memref<256x128xf32, #tpu.memory_space<hbm>>
      %dma_wait3A_31 = arith.constant 0 : i32
      %dma_wait3A_32 = tpu.memref_slice %arg4[%add3A_17, %dma_wait3A_31] : memref<16384x128xf32, #tpu.memory_space<hbm>> -> memref<256x128xf32, #tpu.memory_space<hbm>>
      tpu.wait_dma2 semaphore(%run_scoped3A : memref<!tpu.dma_semaphore, #tpu.memory_space<semaphore_mem>>) src(%arg6 : memref<256x128xf32, #tpu.memory_space<vmem>>) dst(%dma_wait3A_32 : memref<256x128xf32, #tpu.memory_space<hbm>>)
      tpu.yield
    }) : () -> ()
    %dma_wait3A_18 = arith.constant 256 : i32
    %dma_wait3A_19 = tpu.memref_slice %arg5[%dma_wait3A_18] : memref<512xi32, #tpu.memory_space<vmem>> -> memref<256xi32, #tpu.memory_space<vmem>>
    %dma_wait3A_20 = arith.constant 0 : i32
    %dma_wait3A_21 = arith.constant 0 : i32
    %dma_wait3A_22 = tpu.memref_slice %arg2[%dma_wait3A_20, %dma_wait3A_21] : memref<1024x128xf32, #tpu.memory_space<hbm>> -> memref<1024x128xf32, #tpu.memory_space<hbm>>
    tpu.wait_indirect_dma semaphore(%arg9 : memref<!tpu.dma_semaphore, #tpu.memory_space<semaphore_mem>>) src(%dma_wait3A_22 : memref<1024x128xf32, #tpu.memory_space<hbm>>) dst(%arg7 : memref<256x128xf32, #tpu.memory_space<vmem>>)
    %add3A_23 = arith.constant 256 : i32
    %add3A_24 = arith.addi %mul3A_2, %add3A_23 : i32
    "tpu.region"() ({
      %run_scoped3A = tpu.sem_alloc : memref<!tpu.dma_semaphore, #tpu.memory_space<semaphore_mem>>
      %dma_start3A_25 = arith.constant 0 : i32
      %dma_start3A_26 = tpu.memref_slice %arg4[%add3A_24, %dma_start3A_25] : memref<16384x128xf32, #tpu.memory_space<hbm>> -> memref<256x128xf32, #tpu.memory_space<hbm>>
      %dma_start3A_27 = arith.constant 0 : i32
      %dma_start3A_28 = tpu.memref_slice %arg4[%add3A_24, %dma_start3A_27] : memref<16384x128xf32, #tpu.memory_space<hbm>> -> memref<256x128xf32, #tpu.memory_space<hbm>>
      tpu.enqueue_dma source(%arg7 : memref<256x128xf32, #tpu.memory_space<vmem>>) target(%dma_start3A_28 : memref<256x128xf32, #tpu.memory_space<hbm>>) target_semaphore(%run_scoped3A : memref<!tpu.dma_semaphore, #tpu.memory_space<semaphore_mem>>)
      %dma_wait3A_29 = arith.constant 0 : i32
      %dma_wait3A_30 = tpu.memref_slice %arg4[%add3A_24, %dma_wait3A_29] : memref<16384x128xf32, #tpu.memory_space<hbm>> -> memref<256x128xf32, #tpu.memory_space<hbm>>
      %dma_wait3A_31 = arith.constant 0 : i32
      %dma_wait3A_32 = tpu.memref_slice %arg4[%add3A_24, %dma_wait3A_31] : memref<16384x128xf32, #tpu.memory_space<hbm>> -> memref<256x128xf32, #tpu.memory_space<hbm>>
      tpu.wait_dma2 semaphore(%run_scoped3A : memref<!tpu.dma_semaphore, #tpu.memory_space<semaphore_mem>>) src(%arg7 : memref<256x128xf32, #tpu.memory_space<vmem>>) dst(%dma_wait3A_32 : memref<256x128xf32, #tpu.memory_space<hbm>>)
      tpu.yield
    }) : () -> ()
    return
  }
}

#map = affine_map<(d0, d1) -> (0, 0)>
#map1 = affine_map<(d0, d1) -> (0)>
module attributes {stable_mosaic.version = 14 : i64} {
  func.func @k(%arg0: i32, %arg1: i32, %arg2: memref<1024x128xf32, #tpu.memory_space<hbm>>, %arg3: memref<16384xi32, #tpu.memory_space<hbm>>, %arg4: memref<16384x128xf32, #tpu.memory_space<hbm>>, %arg5: memref<512xi32, #tpu.memory_space<vmem>>, %arg6: memref<256x128xf32, #tpu.memory_space<vmem>>, %arg7: memref<256x128xf32, #tpu.memory_space<vmem>>, %arg8: memref<!tpu.dma_semaphore, #tpu.memory_space<semaphore_mem>>, %arg9: memref<!tpu.dma_semaphore, #tpu.memory_space<semaphore_mem>>) attributes {dimension_semantics = [#tpu.dimension_semantics<core_parallel>, #tpu.dimension_semantics<subcore_parallel>], iteration_bounds = array<i64: 2, 16>, scalar_prefetch = 0 : i64, scratch_operands = 5 : i64, tpu.core_type = #tpu.core_type<sc_vector_subcore>, window_params = [{transform_indices = #map}, {transform_indices = #map1}, {transform_indices = #map}]} {
    %mul3A = arith.constant 2 : i32
    %mul3A_0 = arith.muli %arg1, %mul3A : i32
    %add3A = arith.addi %mul3A_0, %arg0 : i32
    %mul3A_1 = arith.constant 512 : i32
    %mul3A_2 = arith.muli %add3A, %mul3A_1 : i32
    "tpu.region"() ({
      %run_scoped3A = tpu.sem_alloc : memref<!tpu.dma_semaphore, #tpu.memory_space<semaphore_mem>>
      %dma_start3A_25 = tpu.memref_slice %arg3[%mul3A_2] : memref<16384xi32, #tpu.memory_space<hbm>> -> memref<512xi32, #tpu.memory_space<hbm>>
      %dma_start3A_26 = tpu.memref_slice %arg3[%mul3A_2] : memref<16384xi32, #tpu.memory_space<hbm>> -> memref<512xi32, #tpu.memory_space<hbm>>
      tpu.enqueue_dma source(%dma_start3A_26 : memref<512xi32, #tpu.memory_space<hbm>>) target(%arg5 : memref<512xi32, #tpu.memory_space<vmem>>) target_semaphore(%run_scoped3A : memref<!tpu.dma_semaphore, #tpu.memory_space<semaphore_mem>>)
      %dma_wait3A_27 = tpu.memref_slice %arg3[%mul3A_2] : memref<16384xi32, #tpu.memory_space<hbm>> -> memref<512xi32, #tpu.memory_space<hbm>>
      %dma_wait3A_28 = tpu.memref_slice %arg3[%mul3A_2] : memref<16384xi32, #tpu.memory_space<hbm>> -> memref<512xi32, #tpu.memory_space<hbm>>
      tpu.wait_dma2 semaphore(%run_scoped3A : memref<!tpu.dma_semaphore, #tpu.memory_space<semaphore_mem>>) src(%dma_wait3A_28 : memref<512xi32, #tpu.memory_space<hbm>>) dst(%arg5 : memref<512xi32, #tpu.memory_space<vmem>>)
      tpu.yield
    }) : () -> ()
    %dma_start3A = arith.constant 0 : i32
    %dma_start3A_3 = tpu.memref_slice %arg5[%dma_start3A] : memref<512xi32, #tpu.memory_space<vmem>> -> memref<256xi32, #tpu.memory_space<vmem>>
    %dma_start3A_4 = arith.constant 0 : i32
    %dma_start3A_5 = arith.constant 0 : i32
    %dma_start3A_6 = tpu.memref_slice %arg2[%dma_start3A_4, %dma_start3A_5] : memref<1024x128xf32, #tpu.memory_space<hbm>> -> memref<1024x128xf32, #tpu.memory_space<hbm>>
    tpu.enqueue_indirect_dma source(%dma_start3A_6 : memref<1024x128xf32, #tpu.memory_space<hbm>>) target(%arg6 : memref<256x128xf32, #tpu.memory_space<vmem>>) offsets(%dma_start3A_3 : memref<256xi32, #tpu.memory_space<vmem>>) semaphore(%arg8 : memref<!tpu.dma_semaphore, #tpu.memory_space<semaphore_mem>>)
    %dma_start3A_7 = arith.constant 256 : i32
    %dma_start3A_8 = tpu.memref_slice %arg5[%dma_start3A_7] : memref<512xi32, #tpu.memory_space<vmem>> -> memref<256xi32, #tpu.memory_space<vmem>>
    %dma_start3A_9 = arith.constant 0 : i32
    %dma_start3A_10 = arith.constant 0 : i32
    %dma_start3A_11 = tpu.memref_slice %arg2[%dma_start3A_9, %dma_start3A_10] : memref<1024x128xf32, #tpu.memory_space<hbm>> -> memref<1024x128xf32, #tpu.memory_space<hbm>>
    tpu.enqueue_indirect_dma source(%dma_start3A_11 : memref<1024x128xf32, #tpu.memory_space<hbm>>) target(%arg7 : memref<256x128xf32, #tpu.memory_space<vmem>>) offsets(%dma_start3A_8 : memref<256xi32, #tpu.memory_space<vmem>>) semaphore(%arg9 : memref<!tpu.dma_semaphore, #tpu.memory_space<semaphore_mem>>)
    %dma_wait3A = arith.constant 0 : i32
    %dma_wait3A_12 = tpu.memref_slice %arg5[%dma_wait3A] : memref<512xi32, #tpu.memory_space<vmem>> -> memref<256xi32, #tpu.memory_space<vmem>>
    %dma_wait3A_13 = arith.constant 0 : i32
    %dma_wait3A_14 = arith.constant 0 : i32
    %dma_wait3A_15 = tpu.memref_slice %arg2[%dma_wait3A_13, %dma_wait3A_14] : memref<1024x128xf32, #tpu.memory_space<hbm>> -> memref<1024x128xf32, #tpu.memory_space<hbm>>
    tpu.wait_indirect_dma semaphore(%arg8 : memref<!tpu.dma_semaphore, #tpu.memory_space<semaphore_mem>>) src(%dma_wait3A_15 : memref<1024x128xf32, #tpu.memory_space<hbm>>) dst(%arg6 : memref<256x128xf32, #tpu.memory_space<vmem>>)
    %add3A_16 = arith.constant 0 : i32
    %add3A_17 = arith.addi %mul3A_2, %add3A_16 : i32
    "tpu.region"() ({
      %run_scoped3A = tpu.sem_alloc : memref<!tpu.dma_semaphore, #tpu.memory_space<semaphore_mem>>
      %dma_start3A_25 = arith.constant 0 : i32
      %dma_start3A_26 = tpu.memref_slice %arg4[%add3A_17, %dma_start3A_25] : memref<16384x128xf32, #tpu.memory_space<hbm>> -> memref<256x128xf32, #tpu.memory_space<hbm>>
      %dma_start3A_27 = arith.constant 0 : i32
      %dma_start3A_28 = tpu.memref_slice %arg4[%add3A_17, %dma_start3A_27] : memref<16384x128xf32, #tpu.memory_space<hbm>> -> memref<256x128xf32, #tpu.memory_space<hbm>>
      tpu.enqueue_dma source(%arg6 : memref<256x128xf32, #tpu.memory_space<vmem>>) target(%dma_start3A_28 : memref<256x128xf32, #tpu.memory_space<hbm>>) target_semaphore(%run_scoped3A : memref<!tpu.dma_semaphore, #tpu.memory_space<semaphore_mem>>)
      %dma_wait3A_29 = arith.constant 0 : i32
      %dma_wait3A_30 = tpu.memref_slice %arg4[%add3A_17, %dma_wait3A_29] : memref<16384x128xf32, #tpu.memory_space<hbm>> -> memref<256x128xf32, #tpu.memory_space<hbm>>
      %dma_wait3A_31 = arith.constant 0 : i32
      %dma_wait3A_32 = tpu.memref_slice %arg4[%add3A_17, %dma_wait3A_31] : memref<16384x128xf32, #tpu.memory_space<hbm>> -> memref<256x128xf32, #tpu.memory_space<hbm>>
      tpu.wait_dma2 semaphore(%run_scoped3A : memref<!tpu.dma_semaphore, #tpu.memory_space<semaphore_mem>>) src(%arg6 : memref<256x128xf32, #tpu.memory_space<vmem>>) dst(%dma_wait3A_32 : memref<256x128xf32, #tpu.memory_space<hbm>>)
      tpu.yield
    }) : () -> ()
    %dma_wait3A_18 = arith.constant 256 : i32
    %dma_wait3A_19 = tpu.memref_slice %arg5[%dma_wait3A_18] : memref<512xi32, #tpu.memory_space<vmem>> -> memref<256xi32, #tpu.memory_space<vmem>>
    %dma_wait3A_20 = arith.constant 0 : i32
    %dma_wait3A_21 = arith.constant 0 : i32
    %dma_wait3A_22 = tpu.memref_slice %arg2[%dma_wait3A_20, %dma_wait3A_21] : memref<1024x128xf32, #tpu.memory_space<hbm>> -> memref<1024x128xf32, #tpu.memory_space<hbm>>
    tpu.wait_indirect_dma semaphore(%arg9 : memref<!tpu.dma_semaphore, #tpu.memory_space<semaphore_mem>>) src(%dma_wait3A_22 : memref<1024x128xf32, #tpu.memory_space<hbm>>) dst(%arg7 : memref<256x128xf32, #tpu.memory_space<vmem>>)
    %add3A_23 = arith.constant 256 : i32
    %add3A_24 = arith.addi %mul3A_2, %add3A_23 : i32
    "tpu.region"() ({
      %run_scoped3A = tpu.sem_alloc : memref<!tpu.dma_semaphore, #tpu.memory_space<semaphore_mem>>
      %dma_start3A_25 = arith.constant 0 : i32
      %dma_start3A_26 = tpu.memref_slice %arg4[%add3A_24, %dma_start3A_25] : memref<16384x128xf32, #tpu.memory_space<hbm>> -> memref<256x128xf32, #tpu.memory_space<hbm>>
      %dma_start3A_27 = arith.constant 0 : i32
      %dma_start3A_28 = tpu.memref_slice %arg4[%add3A_24, %dma_start3A_27] : memref<16384x128xf32, #tpu.memory_space<hbm>> -> memref<256x128xf32, #tpu.memory_space<hbm>>
      tpu.enqueue_dma source(%arg7 : memref<256x128xf32, #tpu.memory_space<vmem>>) target(%dma_start3A_28 : memref<256x128xf32, #tpu.memory_space<hbm>>) target_semaphore(%run_scoped3A : memref<!tpu.dma_semaphore, #tpu.memory_space<semaphore_mem>>)
      %dma_wait3A_29 = arith.constant 0 : i32
      %dma_wait3A_30 = tpu.memref_slice %arg4[%add3A_24, %dma_wait3A_29] : memref<16384x128xf32, #tpu.memory_space<hbm>> -> memref<256x128xf32, #tpu.memory_space<hbm>>
      %dma_wait3A_31 = arith.constant 0 : i32
      %dma_wait3A_32 = tpu.memref_slice %arg4[%add3A_24, %dma_wait3A_31] : memref<16384x128xf32, #tpu.memory_space<hbm>> -> memref<256x128xf32, #tpu.memory_space<hbm>>
      tpu.wait_dma2 semaphore(%run_scoped3A : memref<!tpu.dma_semaphore, #tpu.memory_space<semaphore_mem>>) src(%arg7 : memref<256x128xf32, #tpu.memory_space<vmem>>) dst(%dma_wait3A_32 : memref<256x128xf32, #tpu.memory_space<hbm>>)
      tpu.yield
    }) : () -> ()
    return
  }
}

#map = affine_map<(d0, d1) -> (0, 0)>
#map1 = affine_map<(d0, d1) -> (0)>
module attributes {stable_mosaic.version = 14 : i64} {
  func.func @k(%arg0: i32, %arg1: i32, %arg2: memref<1024x128xf32, #tpu.memory_space<hbm>>, %arg3: memref<16384xi32, #tpu.memory_space<hbm>>, %arg4: memref<16384x128xf32, #tpu.memory_space<hbm>>, %arg5: memref<512xi32, #tpu.memory_space<vmem>>, %arg6: memref<256x128xf32, #tpu.memory_space<vmem>>, %arg7: memref<256x128xf32, #tpu.memory_space<vmem>>, %arg8: memref<!tpu.dma_semaphore, #tpu.memory_space<semaphore_mem>>, %arg9: memref<!tpu.dma_semaphore, #tpu.memory_space<semaphore_mem>>) attributes {dimension_semantics = [#tpu.dimension_semantics<core_parallel>, #tpu.dimension_semantics<subcore_parallel>], iteration_bounds = array<i64: 2, 16>, scalar_prefetch = 0 : i64, scratch_operands = 5 : i64, tpu.core_type = #tpu.core_type<sc_vector_subcore>, window_params = [{transform_indices = #map}, {transform_indices = #map1}, {transform_indices = #map}]} {
    %mul3A = arith.constant 2 : i32
    %mul3A_0 = arith.muli %arg1, %mul3A : i32
    %add3A = arith.addi %mul3A_0, %arg0 : i32
    %mul3A_1 = arith.constant 512 : i32
    %mul3A_2 = arith.muli %add3A, %mul3A_1 : i32
    "tpu.region"() ({
      %run_scoped3A = tpu.sem_alloc : memref<!tpu.dma_semaphore, #tpu.memory_space<semaphore_mem>>
      %dma_start3A_25 = tpu.memref_slice %arg3[%mul3A_2] : memref<16384xi32, #tpu.memory_space<hbm>> -> memref<512xi32, #tpu.memory_space<hbm>>
      %dma_start3A_26 = tpu.memref_slice %arg3[%mul3A_2] : memref<16384xi32, #tpu.memory_space<hbm>> -> memref<512xi32, #tpu.memory_space<hbm>>
      tpu.enqueue_dma source(%dma_start3A_26 : memref<512xi32, #tpu.memory_space<hbm>>) target(%arg5 : memref<512xi32, #tpu.memory_space<vmem>>) target_semaphore(%run_scoped3A : memref<!tpu.dma_semaphore, #tpu.memory_space<semaphore_mem>>)
      %dma_wait3A_27 = tpu.memref_slice %arg3[%mul3A_2] : memref<16384xi32, #tpu.memory_space<hbm>> -> memref<512xi32, #tpu.memory_space<hbm>>
      %dma_wait3A_28 = tpu.memref_slice %arg3[%mul3A_2] : memref<16384xi32, #tpu.memory_space<hbm>> -> memref<512xi32, #tpu.memory_space<hbm>>
      tpu.wait_dma2 semaphore(%run_scoped3A : memref<!tpu.dma_semaphore, #tpu.memory_space<semaphore_mem>>) src(%dma_wait3A_28 : memref<512xi32, #tpu.memory_space<hbm>>) dst(%arg5 : memref<512xi32, #tpu.memory_space<vmem>>)
      tpu.yield
    }) : () -> ()
    %dma_start3A = arith.constant 0 : i32
    %dma_start3A_3 = tpu.memref_slice %arg5[%dma_start3A] : memref<512xi32, #tpu.memory_space<vmem>> -> memref<256xi32, #tpu.memory_space<vmem>>
    %dma_start3A_4 = arith.constant 0 : i32
    %dma_start3A_5 = arith.constant 0 : i32
    %dma_start3A_6 = tpu.memref_slice %arg2[%dma_start3A_4, %dma_start3A_5] : memref<1024x128xf32, #tpu.memory_space<hbm>> -> memref<1024x128xf32, #tpu.memory_space<hbm>>
    tpu.enqueue_indirect_dma source(%dma_start3A_6 : memref<1024x128xf32, #tpu.memory_space<hbm>>) target(%arg6 : memref<256x128xf32, #tpu.memory_space<vmem>>) offsets(%dma_start3A_3 : memref<256xi32, #tpu.memory_space<vmem>>) semaphore(%arg8 : memref<!tpu.dma_semaphore, #tpu.memory_space<semaphore_mem>>)
    %dma_start3A_7 = arith.constant 256 : i32
    %dma_start3A_8 = tpu.memref_slice %arg5[%dma_start3A_7] : memref<512xi32, #tpu.memory_space<vmem>> -> memref<256xi32, #tpu.memory_space<vmem>>
    %dma_start3A_9 = arith.constant 0 : i32
    %dma_start3A_10 = arith.constant 0 : i32
    %dma_start3A_11 = tpu.memref_slice %arg2[%dma_start3A_9, %dma_start3A_10] : memref<1024x128xf32, #tpu.memory_space<hbm>> -> memref<1024x128xf32, #tpu.memory_space<hbm>>
    tpu.enqueue_indirect_dma source(%dma_start3A_11 : memref<1024x128xf32, #tpu.memory_space<hbm>>) target(%arg7 : memref<256x128xf32, #tpu.memory_space<vmem>>) offsets(%dma_start3A_8 : memref<256xi32, #tpu.memory_space<vmem>>) semaphore(%arg9 : memref<!tpu.dma_semaphore, #tpu.memory_space<semaphore_mem>>)
    %dma_wait3A = arith.constant 0 : i32
    %dma_wait3A_12 = tpu.memref_slice %arg5[%dma_wait3A] : memref<512xi32, #tpu.memory_space<vmem>> -> memref<256xi32, #tpu.memory_space<vmem>>
    %dma_wait3A_13 = arith.constant 0 : i32
    %dma_wait3A_14 = arith.constant 0 : i32
    %dma_wait3A_15 = tpu.memref_slice %arg2[%dma_wait3A_13, %dma_wait3A_14] : memref<1024x128xf32, #tpu.memory_space<hbm>> -> memref<1024x128xf32, #tpu.memory_space<hbm>>
    tpu.wait_indirect_dma semaphore(%arg8 : memref<!tpu.dma_semaphore, #tpu.memory_space<semaphore_mem>>) src(%dma_wait3A_15 : memref<1024x128xf32, #tpu.memory_space<hbm>>) dst(%arg6 : memref<256x128xf32, #tpu.memory_space<vmem>>)
    %add3A_16 = arith.constant 0 : i32
    %add3A_17 = arith.addi %mul3A_2, %add3A_16 : i32
    "tpu.region"() ({
      %run_scoped3A = tpu.sem_alloc : memref<!tpu.dma_semaphore, #tpu.memory_space<semaphore_mem>>
      %dma_start3A_25 = arith.constant 0 : i32
      %dma_start3A_26 = tpu.memref_slice %arg4[%add3A_17, %dma_start3A_25] : memref<16384x128xf32, #tpu.memory_space<hbm>> -> memref<256x128xf32, #tpu.memory_space<hbm>>
      %dma_start3A_27 = arith.constant 0 : i32
      %dma_start3A_28 = tpu.memref_slice %arg4[%add3A_17, %dma_start3A_27] : memref<16384x128xf32, #tpu.memory_space<hbm>> -> memref<256x128xf32, #tpu.memory_space<hbm>>
      tpu.enqueue_dma source(%arg6 : memref<256x128xf32, #tpu.memory_space<vmem>>) target(%dma_start3A_28 : memref<256x128xf32, #tpu.memory_space<hbm>>) target_semaphore(%run_scoped3A : memref<!tpu.dma_semaphore, #tpu.memory_space<semaphore_mem>>)
      %dma_wait3A_29 = arith.constant 0 : i32
      %dma_wait3A_30 = tpu.memref_slice %arg4[%add3A_17, %dma_wait3A_29] : memref<16384x128xf32, #tpu.memory_space<hbm>> -> memref<256x128xf32, #tpu.memory_space<hbm>>
      %dma_wait3A_31 = arith.constant 0 : i32
      %dma_wait3A_32 = tpu.memref_slice %arg4[%add3A_17, %dma_wait3A_31] : memref<16384x128xf32, #tpu.memory_space<hbm>> -> memref<256x128xf32, #tpu.memory_space<hbm>>
      tpu.wait_dma2 semaphore(%run_scoped3A : memref<!tpu.dma_semaphore, #tpu.memory_space<semaphore_mem>>) src(%arg6 : memref<256x128xf32, #tpu.memory_space<vmem>>) dst(%dma_wait3A_32 : memref<256x128xf32, #tpu.memory_space<hbm>>)
      tpu.yield
    }) : () -> ()
    %dma_wait3A_18 = arith.constant 256 : i32
    %dma_wait3A_19 = tpu.memref_slice %arg5[%dma_wait3A_18] : memref<512xi32, #tpu.memory_space<vmem>> -> memref<256xi32, #tpu.memory_space<vmem>>
    %dma_wait3A_20 = arith.constant 0 : i32
    %dma_wait3A_21 = arith.constant 0 : i32
    %dma_wait3A_22 = tpu.memref_slice %arg2[%dma_wait3A_20, %dma_wait3A_21] : memref<1024x128xf32, #tpu.memory_space<hbm>> -> memref<1024x128xf32, #tpu.memory_space<hbm>>
    tpu.wait_indirect_dma semaphore(%arg9 : memref<!tpu.dma_semaphore, #tpu.memory_space<semaphore_mem>>) src(%dma_wait3A_22 : memref<1024x128xf32, #tpu.memory_space<hbm>>) dst(%arg7 : memref<256x128xf32, #tpu.memory_space<vmem>>)
    %add3A_23 = arith.constant 256 : i32
    %add3A_24 = arith.addi %mul3A_2, %add3A_23 : i32
    "tpu.region"() ({
      %run_scoped3A = tpu.sem_alloc : memref<!tpu.dma_semaphore, #tpu.memory_space<semaphore_mem>>
      %dma_start3A_25 = arith.constant 0 : i32
      %dma_start3A_26 = tpu.memref_slice %arg4[%add3A_24, %dma_start3A_25] : memref<16384x128xf32, #tpu.memory_space<hbm>> -> memref<256x128xf32, #tpu.memory_space<hbm>>
      %dma_start3A_27 = arith.constant 0 : i32
      %dma_start3A_28 = tpu.memref_slice %arg4[%add3A_24, %dma_start3A_27] : memref<16384x128xf32, #tpu.memory_space<hbm>> -> memref<256x128xf32, #tpu.memory_space<hbm>>
      tpu.enqueue_dma source(%arg7 : memref<256x128xf32, #tpu.memory_space<vmem>>) target(%dma_start3A_28 : memref<256x128xf32, #tpu.memory_space<hbm>>) target_semaphore(%run_scoped3A : memref<!tpu.dma_semaphore, #tpu.memory_space<semaphore_mem>>)
      %dma_wait3A_29 = arith.constant 0 : i32
      %dma_wait3A_30 = tpu.memref_slice %arg4[%add3A_24, %dma_wait3A_29] : memref<16384x128xf32, #tpu.memory_space<hbm>> -> memref<256x128xf32, #tpu.memory_space<hbm>>
      %dma_wait3A_31 = arith.constant 0 : i32
      %dma_wait3A_32 = tpu.memref_slice %arg4[%add3A_24, %dma_wait3A_31] : memref<16384x128xf32, #tpu.memory_space<hbm>> -> memref<256x128xf32, #tpu.memory_space<hbm>>
      tpu.wait_dma2 semaphore(%run_scoped3A : memref<!tpu.dma_semaphore, #tpu.memory_space<semaphore_mem>>) src(%arg7 : memref<256x128xf32, #tpu.memory_space<vmem>>) dst(%dma_wait3A_32 : memref<256x128xf32, #tpu.memory_space<hbm>>)
      tpu.yield
    }) : () -> ()
    return
  }
}

module attributes {stable_mosaic.version = 14 : i64} {
  func.func @_argmin_body(%arg0: i32, %arg1: memref<32x2048xf32, #tpu.memory_space<vmem>>, %arg2: memref<1024x32xf32, #tpu.memory_space<vmem>>, %arg3: memref<1x1x2048xi32, #tpu.memory_space<vmem>>) attributes {dimension_semantics = [#tpu.dimension_semantics<arbitrary>], iteration_bounds = array<i64: 8>, scalar_prefetch = 0 : i64, scratch_operands = 0 : i64, tpu.core_type = #tpu.core_type<tc>, window_params = [{transform_indices = @transform_0, window_bounds = array<i64: 32, 2048>}, {pipeline_mode = #tpu.pipeline_mode<synchronous>, transform_indices = @transform_1, window_bounds = array<i64: 1024, 32>}, {transform_indices = @transform_2, window_bounds = array<i64: 1, 1, 2048>}]} {
    %get3A = arith.constant 0 : index
    %get3A_0 = arith.constant 0 : index
    %get3A_1 = vector.load %arg1[%get3A, %get3A_0] : memref<32x2048xf32, #tpu.memory_space<vmem>>, vector<32x2048xf32>
    %get3A_2 = arith.constant 0 : index
    %get3A_3 = arith.constant 0 : index
    %get3A_4 = vector.load %arg2[%get3A_2, %get3A_3] : memref<1024x32xf32, #tpu.memory_space<vmem>>, vector<1024x32xf32>
    %mul3A = arith.mulf %get3A_4, %get3A_4 : vector<1024x32xf32>
    %reduce_sum3A = arith.constant dense<0.000000e+00> : vector<1024xf32>
    %reduce_sum3A_5 = vector.multi_reduction <add>, %mul3A, %reduce_sum3A [1] : vector<1024x32xf32> to vector<1024xf32>
    %broadcast_in_dim3A = vector.shape_cast %reduce_sum3A_5 : vector<1024xf32> to vector<1024x1xf32>
    %mul3A_6 = arith.mulf %get3A_1, %get3A_1 : vector<32x2048xf32>
    %reduce_sum3A_7 = arith.constant dense<0.000000e+00> : vector<2048xf32>
    %reduce_sum3A_8 = vector.multi_reduction <add>, %mul3A_6, %reduce_sum3A_7 [0] : vector<32x2048xf32> to vector<2048xf32>
    %broadcast_in_dim3A_9 = vector.shape_cast %reduce_sum3A_8 : vector<2048xf32> to vector<1x2048xf32>
    %convert_element_type3A = arith.truncf %get3A_4 : vector<1024x32xf32> to vector<1024x32xbf16>
    %convert_element_type3A_10 = arith.truncf %get3A_1 : vector<32x2048xf32> to vector<32x2048xbf16>
    %dot_general3A = arith.constant dense<0.000000e+00> : vector<1024x2048xf32>
    %dot_general3A_11 = tpu.matmul %convert_element_type3A, %convert_element_type3A_10, %dot_general3A {dimension_numbers = #tpu.dot_dimension_numbers<[1], [0], [0], [1], [0, 0, 1, 1], [], []>, transpose_lhs_hint = false} : vector<1024x32xbf16>, vector<32x2048xbf16>, vector<1024x2048xf32> -> vector<1024x2048xf32>
    %add3A = vector.broadcast %broadcast_in_dim3A : vector<1024x1xf32> to vector<1024x2048xf32>
    %add3A_12 = vector.broadcast %broadcast_in_dim3A_9 : vector<1x2048xf32> to vector<1024x2048xf32>
    %add3A_13 = arith.addf %add3A, %add3A_12 : vector<1024x2048xf32>
    %mul3A_14 = arith.constant 2.000000e+00 : f32
    %mul3A_15 = vector.broadcast %mul3A_14 : f32 to vector<1024x2048xf32>
    %mul3A_16 = arith.mulf %mul3A_15, %dot_general3A_11 : vector<1024x2048xf32>
    %sub3A = arith.subf %add3A_13, %mul3A_16 : vector<1024x2048xf32>
    %argmin3A = tpu.reduce_index %sub3A {axis = 0 : i32, kind = #tpu.reduction_kind<arg_min>} : vector<1024x2048xf32> -> vector<2048xi32>
    %reshape3A = vector.shape_cast %argmin3A : vector<2048xi32> to vector<1x1x2048xi32>
    %swap3A = arith.constant 0 : index
    %swap3A_17 = arith.constant 0 : index
    %swap3A_18 = arith.constant 0 : index
    %swap3A_19 = vector.load %arg3[%swap3A, %swap3A_17, %swap3A_18] : memref<1x1x2048xi32, #tpu.memory_space<vmem>>, vector<1x1x2048xi32>
    tpu.vector_store %arg3[%swap3A, %swap3A_17, %swap3A_18], %reshape3A {strides = array<i32>} : memref<1x1x2048xi32, #tpu.memory_space<vmem>>, vector<1x1x2048xi32>,
    return
  }
  func.func @transform_0(%arg0: i32) -> (i32, i32) {
    %add3A = arith.constant 0 : i32
    %add3A_0 = arith.addi %arg0, %add3A : i32
    %c0_i32 = arith.constant 0 : i32
    %c0_i32_1 = arith.constant 0 : i32
    return %c0_i32, %add3A_0 : i32, i32
  }
  func.func @transform_1(%arg0: i32) -> (i32, i32) {
    %c0_i32 = arith.constant 0 : i32
    %c0_i32_0 = arith.constant 0 : i32
    %c0_i32_1 = arith.constant 0 : i32
    return %c0_i32, %c0_i32_0 : i32, i32
  }
  func.func @transform_2(%arg0: i32) -> (i32, i32, i32) {
    %c0_i32 = arith.constant 0 : i32
    %c0_i32_0 = arith.constant 0 : i32
    %c0_i32_1 = arith.constant 0 : i32
    return %arg0, %c0_i32, %c0_i32_0 : i32, i32, i32
  }
}

module attributes {stable_mosaic.version = 14 : i64} {
  func.func @_argmin_body(%arg0: i32, %arg1: memref<32x2048xf32, #tpu.memory_space<vmem>>, %arg2: memref<1024x32xf32, #tpu.memory_space<vmem>>, %arg3: memref<1x1x2048xi32, #tpu.memory_space<vmem>>) attributes {dimension_semantics = [#tpu.dimension_semantics<arbitrary>], iteration_bounds = array<i64: 8>, scalar_prefetch = 0 : i64, scratch_operands = 0 : i64, tpu.core_type = #tpu.core_type<tc>, window_params = [{transform_indices = @transform_0, window_bounds = array<i64: 32, 2048>}, {pipeline_mode = #tpu.pipeline_mode<synchronous>, transform_indices = @transform_1, window_bounds = array<i64: 1024, 32>}, {transform_indices = @transform_2, window_bounds = array<i64: 1, 1, 2048>}]} {
    %get3A = arith.constant 0 : index
    %get3A_0 = arith.constant 0 : index
    %get3A_1 = vector.load %arg1[%get3A, %get3A_0] : memref<32x2048xf32, #tpu.memory_space<vmem>>, vector<32x2048xf32>
    %get3A_2 = arith.constant 0 : index
    %get3A_3 = arith.constant 0 : index
    %get3A_4 = vector.load %arg2[%get3A_2, %get3A_3] : memref<1024x32xf32, #tpu.memory_space<vmem>>, vector<1024x32xf32>
    %mul3A = arith.mulf %get3A_4, %get3A_4 : vector<1024x32xf32>
    %reduce_sum3A = arith.constant dense<0.000000e+00> : vector<1024xf32>
    %reduce_sum3A_5 = vector.multi_reduction <add>, %mul3A, %reduce_sum3A [1] : vector<1024x32xf32> to vector<1024xf32>
    %broadcast_in_dim3A = vector.shape_cast %reduce_sum3A_5 : vector<1024xf32> to vector<1024x1xf32>
    %mul3A_6 = arith.mulf %get3A_1, %get3A_1 : vector<32x2048xf32>
    %reduce_sum3A_7 = arith.constant dense<0.000000e+00> : vector<2048xf32>
    %reduce_sum3A_8 = vector.multi_reduction <add>, %mul3A_6, %reduce_sum3A_7 [0] : vector<32x2048xf32> to vector<2048xf32>
    %broadcast_in_dim3A_9 = vector.shape_cast %reduce_sum3A_8 : vector<2048xf32> to vector<1x2048xf32>
    %convert_element_type3A = arith.truncf %get3A_4 : vector<1024x32xf32> to vector<1024x32xbf16>
    %convert_element_type3A_10 = arith.truncf %get3A_1 : vector<32x2048xf32> to vector<32x2048xbf16>
    %dot_general3A = arith.constant dense<0.000000e+00> : vector<1024x2048xf32>
    %dot_general3A_11 = tpu.matmul %convert_element_type3A, %convert_element_type3A_10, %dot_general3A {dimension_numbers = #tpu.dot_dimension_numbers<[1], [0], [0], [1], [0, 0, 1, 1], [], []>, transpose_lhs_hint = false} : vector<1024x32xbf16>, vector<32x2048xbf16>, vector<1024x2048xf32> -> vector<1024x2048xf32>
    %add3A = vector.broadcast %broadcast_in_dim3A : vector<1024x1xf32> to vector<1024x2048xf32>
    %add3A_12 = vector.broadcast %broadcast_in_dim3A_9 : vector<1x2048xf32> to vector<1024x2048xf32>
    %add3A_13 = arith.addf %add3A, %add3A_12 : vector<1024x2048xf32>
    %mul3A_14 = arith.constant 2.000000e+00 : f32
    %mul3A_15 = vector.broadcast %mul3A_14 : f32 to vector<1024x2048xf32>
    %mul3A_16 = arith.mulf %mul3A_15, %dot_general3A_11 : vector<1024x2048xf32>
    %sub3A = arith.subf %add3A_13, %mul3A_16 : vector<1024x2048xf32>
    %argmin3A = tpu.reduce_index %sub3A {axis = 0 : i32, kind = #tpu.reduction_kind<arg_min>} : vector<1024x2048xf32> -> vector<2048xi32>
    %reshape3A = vector.shape_cast %argmin3A : vector<2048xi32> to vector<1x1x2048xi32>
    %swap3A = arith.constant 0 : index
    %swap3A_17 = arith.constant 0 : index
    %swap3A_18 = arith.constant 0 : index
    %swap3A_19 = vector.load %arg3[%swap3A, %swap3A_17, %swap3A_18] : memref<1x1x2048xi32, #tpu.memory_space<vmem>>, vector<1x1x2048xi32>
    tpu.vector_store %arg3[%swap3A, %swap3A_17, %swap3A_18], %reshape3A {strides = array<i32>} : memref<1x1x2048xi32, #tpu.memory_space<vmem>>, vector<1x1x2048xi32>,
    return
  }
  func.func @transform_0(%arg0: i32) -> (i32, i32) {
    %add3A = arith.constant 24 : i32
    %add3A_0 = arith.addi %arg0, %add3A : i32
    %c0_i32 = arith.constant 0 : i32
    %c0_i32_1 = arith.constant 0 : i32
    return %c0_i32, %add3A_0 : i32, i32
  }
  func.func @transform_1(%arg0: i32) -> (i32, i32) {
    %c0_i32 = arith.constant 0 : i32
    %c0_i32_0 = arith.constant 0 : i32
    %c0_i32_1 = arith.constant 0 : i32
    return %c0_i32, %c0_i32_0 : i32, i32
  }
  func.func @transform_2(%arg0: i32) -> (i32, i32, i32) {
    %c0_i32 = arith.constant 0 : i32
    %c0_i32_0 = arith.constant 0 : i32
    %c0_i32_1 = arith.constant 0 : i32
    return %arg0, %c0_i32, %c0_i32_0 : i32, i32, i32
  }
}

module attributes {stable_mosaic.version = 14 : i64} {
  func.func @_argmin_body(%arg0: i32, %arg1: memref<32x2048xf32, #tpu.memory_space<vmem>>, %arg2: memref<1024x32xf32, #tpu.memory_space<vmem>>, %arg3: memref<1x1x2048xi32, #tpu.memory_space<vmem>>) attributes {dimension_semantics = [#tpu.dimension_semantics<arbitrary>], iteration_bounds = array<i64: 8>, scalar_prefetch = 0 : i64, scratch_operands = 0 : i64, tpu.core_type = #tpu.core_type<tc>, window_params = [{transform_indices = @transform_0, window_bounds = array<i64: 32, 2048>}, {pipeline_mode = #tpu.pipeline_mode<synchronous>, transform_indices = @transform_1, window_bounds = array<i64: 1024, 32>}, {transform_indices = @transform_2, window_bounds = array<i64: 1, 1, 2048>}]} {
    %get3A = arith.constant 0 : index
    %get3A_0 = arith.constant 0 : index
    %get3A_1 = vector.load %arg1[%get3A, %get3A_0] : memref<32x2048xf32, #tpu.memory_space<vmem>>, vector<32x2048xf32>
    %get3A_2 = arith.constant 0 : index
    %get3A_3 = arith.constant 0 : index
    %get3A_4 = vector.load %arg2[%get3A_2, %get3A_3] : memref<1024x32xf32, #tpu.memory_space<vmem>>, vector<1024x32xf32>
    %mul3A = arith.mulf %get3A_4, %get3A_4 : vector<1024x32xf32>
    %reduce_sum3A = arith.constant dense<0.000000e+00> : vector<1024xf32>
    %reduce_sum3A_5 = vector.multi_reduction <add>, %mul3A, %reduce_sum3A [1] : vector<1024x32xf32> to vector<1024xf32>
    %broadcast_in_dim3A = vector.shape_cast %reduce_sum3A_5 : vector<1024xf32> to vector<1024x1xf32>
    %mul3A_6 = arith.mulf %get3A_1, %get3A_1 : vector<32x2048xf32>
    %reduce_sum3A_7 = arith.constant dense<0.000000e+00> : vector<2048xf32>
    %reduce_sum3A_8 = vector.multi_reduction <add>, %mul3A_6, %reduce_sum3A_7 [0] : vector<32x2048xf32> to vector<2048xf32>
    %broadcast_in_dim3A_9 = vector.shape_cast %reduce_sum3A_8 : vector<2048xf32> to vector<1x2048xf32>
    %convert_element_type3A = arith.truncf %get3A_4 : vector<1024x32xf32> to vector<1024x32xbf16>
    %convert_element_type3A_10 = arith.truncf %get3A_1 : vector<32x2048xf32> to vector<32x2048xbf16>
    %dot_general3A = arith.constant dense<0.000000e+00> : vector<1024x2048xf32>
    %dot_general3A_11 = tpu.matmul %convert_element_type3A, %convert_element_type3A_10, %dot_general3A {dimension_numbers = #tpu.dot_dimension_numbers<[1], [0], [0], [1], [0, 0, 1, 1], [], []>, transpose_lhs_hint = false} : vector<1024x32xbf16>, vector<32x2048xbf16>, vector<1024x2048xf32> -> vector<1024x2048xf32>
    %add3A = vector.broadcast %broadcast_in_dim3A : vector<1024x1xf32> to vector<1024x2048xf32>
    %add3A_12 = vector.broadcast %broadcast_in_dim3A_9 : vector<1x2048xf32> to vector<1024x2048xf32>
    %add3A_13 = arith.addf %add3A, %add3A_12 : vector<1024x2048xf32>
    %mul3A_14 = arith.constant 2.000000e+00 : f32
    %mul3A_15 = vector.broadcast %mul3A_14 : f32 to vector<1024x2048xf32>
    %mul3A_16 = arith.mulf %mul3A_15, %dot_general3A_11 : vector<1024x2048xf32>
    %sub3A = arith.subf %add3A_13, %mul3A_16 : vector<1024x2048xf32>
    %argmin3A = tpu.reduce_index %sub3A {axis = 0 : i32, kind = #tpu.reduction_kind<arg_min>} : vector<1024x2048xf32> -> vector<2048xi32>
    %reshape3A = vector.shape_cast %argmin3A : vector<2048xi32> to vector<1x1x2048xi32>
    %swap3A = arith.constant 0 : index
    %swap3A_17 = arith.constant 0 : index
    %swap3A_18 = arith.constant 0 : index
    %swap3A_19 = vector.load %arg3[%swap3A, %swap3A_17, %swap3A_18] : memref<1x1x2048xi32, #tpu.memory_space<vmem>>, vector<1x1x2048xi32>
    tpu.vector_store %arg3[%swap3A, %swap3A_17, %swap3A_18], %reshape3A {strides = array<i32>} : memref<1x1x2048xi32, #tpu.memory_space<vmem>>, vector<1x1x2048xi32>,
    return
  }
  func.func @transform_0(%arg0: i32) -> (i32, i32) {
    %add3A = arith.constant 8 : i32
    %add3A_0 = arith.addi %arg0, %add3A : i32
    %c0_i32 = arith.constant 0 : i32
    %c0_i32_1 = arith.constant 0 : i32
    return %c0_i32, %add3A_0 : i32, i32
  }
  func.func @transform_1(%arg0: i32) -> (i32, i32) {
    %c0_i32 = arith.constant 0 : i32
    %c0_i32_0 = arith.constant 0 : i32
    %c0_i32_1 = arith.constant 0 : i32
    return %c0_i32, %c0_i32_0 : i32, i32
  }
  func.func @transform_2(%arg0: i32) -> (i32, i32, i32) {
    %c0_i32 = arith.constant 0 : i32
    %c0_i32_0 = arith.constant 0 : i32
    %c0_i32_1 = arith.constant 0 : i32
    return %arg0, %c0_i32, %c0_i32_0 : i32, i32, i32
  }
}

module attributes {stable_mosaic.version = 14 : i64} {
  func.func @_argmin_body(%arg0: i32, %arg1: memref<32x2048xf32, #tpu.memory_space<vmem>>, %arg2: memref<1024x32xf32, #tpu.memory_space<vmem>>, %arg3: memref<1x1x2048xi32, #tpu.memory_space<vmem>>) attributes {dimension_semantics = [#tpu.dimension_semantics<arbitrary>], iteration_bounds = array<i64: 8>, scalar_prefetch = 0 : i64, scratch_operands = 0 : i64, tpu.core_type = #tpu.core_type<tc>, window_params = [{transform_indices = @transform_0, window_bounds = array<i64: 32, 2048>}, {pipeline_mode = #tpu.pipeline_mode<synchronous>, transform_indices = @transform_1, window_bounds = array<i64: 1024, 32>}, {transform_indices = @transform_2, window_bounds = array<i64: 1, 1, 2048>}]} {
    %get3A = arith.constant 0 : index
    %get3A_0 = arith.constant 0 : index
    %get3A_1 = vector.load %arg1[%get3A, %get3A_0] : memref<32x2048xf32, #tpu.memory_space<vmem>>, vector<32x2048xf32>
    %get3A_2 = arith.constant 0 : index
    %get3A_3 = arith.constant 0 : index
    %get3A_4 = vector.load %arg2[%get3A_2, %get3A_3] : memref<1024x32xf32, #tpu.memory_space<vmem>>, vector<1024x32xf32>
    %mul3A = arith.mulf %get3A_4, %get3A_4 : vector<1024x32xf32>
    %reduce_sum3A = arith.constant dense<0.000000e+00> : vector<1024xf32>
    %reduce_sum3A_5 = vector.multi_reduction <add>, %mul3A, %reduce_sum3A [1] : vector<1024x32xf32> to vector<1024xf32>
    %broadcast_in_dim3A = vector.shape_cast %reduce_sum3A_5 : vector<1024xf32> to vector<1024x1xf32>
    %mul3A_6 = arith.mulf %get3A_1, %get3A_1 : vector<32x2048xf32>
    %reduce_sum3A_7 = arith.constant dense<0.000000e+00> : vector<2048xf32>
    %reduce_sum3A_8 = vector.multi_reduction <add>, %mul3A_6, %reduce_sum3A_7 [0] : vector<32x2048xf32> to vector<2048xf32>
    %broadcast_in_dim3A_9 = vector.shape_cast %reduce_sum3A_8 : vector<2048xf32> to vector<1x2048xf32>
    %convert_element_type3A = arith.truncf %get3A_4 : vector<1024x32xf32> to vector<1024x32xbf16>
    %convert_element_type3A_10 = arith.truncf %get3A_1 : vector<32x2048xf32> to vector<32x2048xbf16>
    %dot_general3A = arith.constant dense<0.000000e+00> : vector<1024x2048xf32>
    %dot_general3A_11 = tpu.matmul %convert_element_type3A, %convert_element_type3A_10, %dot_general3A {dimension_numbers = #tpu.dot_dimension_numbers<[1], [0], [0], [1], [0, 0, 1, 1], [], []>, transpose_lhs_hint = false} : vector<1024x32xbf16>, vector<32x2048xbf16>, vector<1024x2048xf32> -> vector<1024x2048xf32>
    %add3A = vector.broadcast %broadcast_in_dim3A : vector<1024x1xf32> to vector<1024x2048xf32>
    %add3A_12 = vector.broadcast %broadcast_in_dim3A_9 : vector<1x2048xf32> to vector<1024x2048xf32>
    %add3A_13 = arith.addf %add3A, %add3A_12 : vector<1024x2048xf32>
    %mul3A_14 = arith.constant 2.000000e+00 : f32
    %mul3A_15 = vector.broadcast %mul3A_14 : f32 to vector<1024x2048xf32>
    %mul3A_16 = arith.mulf %mul3A_15, %dot_general3A_11 : vector<1024x2048xf32>
    %sub3A = arith.subf %add3A_13, %mul3A_16 : vector<1024x2048xf32>
    %argmin3A = tpu.reduce_index %sub3A {axis = 0 : i32, kind = #tpu.reduction_kind<arg_min>} : vector<1024x2048xf32> -> vector<2048xi32>
    %reshape3A = vector.shape_cast %argmin3A : vector<2048xi32> to vector<1x1x2048xi32>
    %swap3A = arith.constant 0 : index
    %swap3A_17 = arith.constant 0 : index
    %swap3A_18 = arith.constant 0 : index
    %swap3A_19 = vector.load %arg3[%swap3A, %swap3A_17, %swap3A_18] : memref<1x1x2048xi32, #tpu.memory_space<vmem>>, vector<1x1x2048xi32>
    tpu.vector_store %arg3[%swap3A, %swap3A_17, %swap3A_18], %reshape3A {strides = array<i32>} : memref<1x1x2048xi32, #tpu.memory_space<vmem>>, vector<1x1x2048xi32>,
    return
  }
  func.func @transform_0(%arg0: i32) -> (i32, i32) {
    %add3A = arith.constant 16 : i32
    %add3A_0 = arith.addi %arg0, %add3A : i32
    %c0_i32 = arith.constant 0 : i32
    %c0_i32_1 = arith.constant 0 : i32
    return %c0_i32, %add3A_0 : i32, i32
  }
  func.func @transform_1(%arg0: i32) -> (i32, i32) {
    %c0_i32 = arith.constant 0 : i32
    %c0_i32_0 = arith.constant 0 : i32
    %c0_i32_1 = arith.constant 0 : i32
    return %c0_i32, %c0_i32_0 : i32, i32
  }
  func.func @transform_2(%arg0: i32) -> (i32, i32, i32) {
    %c0_i32 = arith.constant 0 : i32
    %c0_i32_0 = arith.constant 0 : i32
    %c0_i32_1 = arith.constant 0 : i32
    return %arg0, %c0_i32, %c0_i32_0 : i32, i32, i32
  }
}

</mosaic_0001>

<sc_bundles>
// kernel: kernel.10.cloned.1.call-start
scs
__scs_entry_jumppad:
0x0: {  	(pc) =	sbr.rel $0x88, $3  }
0x1: {  	(tag) =	ssettag $0x0;
	lr =	simm.s32 $0x1  }
0x2: {  	[smem:$0x3F9F] =	sst lr;
	_ =	strace $0xD0000000  }
0x3: {  	_ = 	snop  }
0x4: {  	_ = 	snop  }
0x5: {  	_ = 	snop  }
0x6: {  	_ = 	snop  }
0x7: {  	_ = 	snop  }
__scs_overlays_trampoline_lowered:
0x8: {  	[smem:$0x3FAE] =	sst s0  }
0x9: {  	[smem:$0x3FAF] =	sst s1  }
0xa: {  	[smem:$0x3FB0] =	sst s2  }
0xb: {  	[smem:$0x3FB1] =	sst s3  }
0xc: {  	[smem:$0x3FB2] =	sst s4  }
0xd: {  	[smem:$0x3FB3] =	sst s5  }
0xe: {  	[smem:$0x3FB4] =	sst s6  }
0xf: {  	[smem:$0x3FB5] =	sst s7  }
0x10: {  	[smem:$0x3FB6] =	sst s8  }
0x11: {  	[smem:$0x3FB7] =	sst s9;
	s0 =	simm.s32 @!p0 $0x0  }
0x12: {  	s1 =	sld [smem:$0x3F9D];
	s0 =	simm.s32 @p0 $0x1  }
0x13: {  	[smem:$0x3FB8] =	sst s0;
	s0 =	simm.s32 @!p1 $0x0  }
0x14: {  	s2 =	sld [smem:$0x3F9C];
	s0 =	simm.s32 @p1 $0x1  }
0x15: {  	[smem:$0x3FB9] =	sst s0;
	s0 =	simm.s32 @!p2 $0x0  }
0x16: {  	s3 =	sld [smem:$0x3FDB];
	s0 =	simm.s32 @p2 $0x1  }
0x17: {  	s4 =	simm.s32 $0x1BF5;
	[smem:$0x3FBB] =	sst s0  }
0x18: {  	s0 =	sld [smem:$0x3F9E];
	_ =	swait.ge [sflag:s4], $0x0  }
0x19: {  	s7 =	sld [smem:$0x3F9F]  }
0x1a: {  	s8 =	sadd.s32 $0xFFFFE003, lr  }
0x1b: {  	s9 =	sadd.s32 $0xFFFFFEF7, lr;
	s5 =	simm.s32 $0xFFFFFFFF;
	p2 =	slt.u32 s8, $0xFFFFF086  }
0x1c: {  	p1 =	slt.u32 s9, $0xF7A;
	s5 =	simm.s32 @!p2 $0x0  }
0x1d: {  	s5 =	simm.s32 @p1 $0x1;
	p0 =	seq.s32 s7, s2  }
0x1e: {  	s7 =	smul.u32 @!p0 $0xF7A, s2;
	p2 =	seq.s32 @!p0 s5, $0x0  }
0x1f: {  	s9 =	smul.u32 $0xF7A, s1;
	s8 =	simm.s32 @!p0 $0x1BF5;
	p2 =	por !p2, p0  }
0x20: {  	[sflag:s8] =	ssyncset.s32 @!p0 $0xFFFFF086;
	s6 =	sadd.s32 @!p0 s3, s7;
	s7 =	simm.s32 @!p0 $0x108  }
0x21: {  	s3 =	sadd.s32 s3, s9;
	s6 =	sadd.s32 @!p0 $0x88, s6;
	s7 =	simm.s32 @p2 $0x1082  }
0x22: {  	[simem:s7], [sflag:s8] =	dma.local @!p0 [hbm:s6], $0xF7A  }
0x23: {  	s9 =	sor.u32 $0xD0000000, s2;
	s6 =	simm.s32 $0x108;
	_ =	swait.ge @!p0 [sflag:s8], $0x0  }
0x24: {  	s3 =	sadd.s32 $0x88, s3;
	s6 =	simm.s32 @!p1 $0x1082;
	[sflag:s4] =	ssyncset.s32 $0xFFFFF086  }
0x25: {  	[simem:s6], [sflag:s4] =	dma.local [hbm:s3], $0xF7A  }
0x26: {  	[smem:$0x3F9F] =	sst s1;
	(tag) =	ssettag s2;
	_ =	strace s9  }
0x27: {  	s1 =	sld [smem:$0x3FAF]  }
0x28: {  	s2 =	sld [smem:$0x3FB0]  }
0x29: {  	s4 =	sld [smem:$0x3FB2]  }
0x2a: {  	p0 =	seq.s32 s5, $0x0;
	s5 =	sld [smem:$0x3FB3]  }
0x2b: {  	s6 =	sld [smem:$0x3FB4]  }
0x2c: {  	s7 =	sld [smem:$0x3FB5]  }
0x2d: {  	s3 =	simm.s32 $0x108;
	s8 =	sld [smem:$0x3FB6]  }
0x2e: {  	s3 =	simm.s32 @!p0 $0x1082;
	s9 =	sld [smem:$0x3FB7]  }
0x2f: {  	lr =	sadd.s32 s0, s3;
	s0 =	sld [smem:$0x3FAE]  }
0x30: {  	s3 =	sld [smem:$0x3FB1]  }
0x31: {  	[smem:$0x3FBA] =	sst s10  }
0x32: {  	s10 =	sld [smem:$0x3FB8];
	_ =	sdelay $0x3  }
0x33: {  	p0 =	seq.s32 s10, $0x1;
	s10 =	sld [smem:$0x3FBA];
	_ =	sdelay $0x3  }
0x34: {  	[smem:$0x3FBA] =	sst s10  }
0x35: {  	s10 =	sld [smem:$0x3FB9];
	_ =	sdelay $0x3  }
0x36: {  	p1 =	seq.s32 s10, $0x1;
	s10 =	sld [smem:$0x3FBA];
	_ =	sdelay $0x3  }
0x37: {  	[smem:$0x3FBA] =	sst s10  }
0x38: {  	s10 =	sld [smem:$0x3FBB]  }
0x39: {  	_ = 	snop;
	(pc) =	sbr.ind lr, $3  }
0x3a: {  	_ = 	snop  }
0x3b: {  	_ = 	snop  }
0x3c: {  	p2 =	seq.s32 s10, $0x1;
	s10 =	sld [smem:$0x3FBA]  }
0x3d: {  	_ =	shalt  }
0x3e: {  	_ =	shalt  }
0x3f: {  	_ =	shalt  }
0x40: {  	_ =	shalt  }
0x41: {  	_ =	shalt  }
0x42: {  	_ =	shalt  }
0x43: {  	_ =	shalt  }
0x44: {  	_ =	shalt  }
0x45: {  	_ =	shalt  }
0x46: {  	_ =	shalt  }
0x47: {  	_ =	shalt  }
0x48: {  	_ =	shalt  }
0x49: {  	_ =	shalt  }
0x4a: {  	_ =	shalt  }
0x4b: {  	_ =	shalt  }
0x4c: {  	_ =	shalt  }
0x4d: {  	_ =	shalt  }
0x4e: {  	_ =	shalt  }
0x4f: {  	_ =	shalt  }
0x50: {  	_ =	shalt  }
0x51: {  	_ =	shalt  }
0x52: {  	_ =	shalt  }
0x53: {  	_ =	shalt  }
0x54: {  	_ =	shalt  }
0x55: {  	_ =	shalt  }
0x56: {  	_ =	shalt  }
0x57: {  	_ =	shalt  }
0x58: {  	_ =	shalt  }
0x59: {  	_ =	shalt  }
0x5a: {  	_ =	shalt  }
0x5b: {  	_ =	shalt  }
0x5c: {  	_ =	shalt  }
0x5d: {  	_ =	shalt  }
0x5e: {  	_ =	shalt  }
0x5f: {  	_ =	shalt  }
0x60: {  	_ =	shalt  }
0x61: {  	_ =	shalt  }
0x62: {  	_ =	shalt  }
0x63: {  	_ =	shalt  }
0x64: {  	_ =	shalt  }
0x65: {  	_ =	shalt  }
0x66: {  	_ =	shalt  }
0x67: {  	_ =	shalt  }
0x68: {  	_ =	shalt  }
0x69: {  	_ =	shalt  }
0x6a: {  	_ =	shalt  }
0x6b: {  	_ =	shalt  }
0x6c: {  	_ =	shalt  }
0x6d: {  	_ =	shalt  }
0x6e: {  	_ =	shalt  }
0x6f: {  	_ =	shalt  }
0x70: {  	_ =	shalt  }
0x71: {  	_ =	shalt  }
0x72: {  	_ =	shalt  }
0x73: {  	_ =	shalt  }
0x74: {  	_ =	shalt  }
0x75: {  	_ =	shalt  }
0x76: {  	_ =	shalt  }
0x77: {  	_ =	shalt  }
0x78: {  	_ =	shalt  }
0x79: {  	_ =	shalt  }
0x7a: {  	_ =	shalt  }
0x7b: {  	_ =	shalt  }
0x7c: {  	_ =	shalt  }
0x7d: {  	_ =	shalt  }
0x7e: {  	_ =	shalt  }
0x7f: {  	_ =	shalt  }
0x80: {  	_ =	shalt  }
0x81: {  	_ =	shalt  }
0x82: {  	_ =	shalt  }
0x83: {  	_ =	shalt  }
0x84: {  	_ =	shalt  }
0x85: {  	_ =	shalt  }
0x86: {  	_ =	shalt  }
0x87: {  	_ =	shalt  }
.Lfunc_end0:
.L_simem_size_0:
called_computation_lowered:
.L_overlay_start_0:
0x88: {  	s2 =	sld [smem:$0x3FD9]  }
0x89: {  	s3 =	sld [smem:$0x3FFE];
	_ =	sdelay $0x1  }
0x8a: {  	s1 =	srdreg.scid  }
0x8b: {  	s0 =	sand.u32 $0x1, s1  }
0x8c: {  	s16 =	sshll.u32 s0, $0xA;
	s2 =	sadd.s32 s3, s2  }
0x8d: {  	s2 =	sadd.s32 s2, s16  }
0x8e: {  	[smem:$0x3FC6] =	sst s2  }
0x8f: {  	_ = 	snop  }
0x90: {  	(tm) =	ssettm $0x1  }
0x91: {  	s17 =	sld [smem:$0x3FFB];
	_ =	sdelay $0x3  }
0x92: {  	_ =	strace s17  }
0x93: {  	s2 =	sld [smem:$0x3FFC];
	_ =	sdelay $0x3  }
0x94: {  	_ =	strace s2  }
0x95: {  	s2 =	sld [smem:$0x3FFD];
	_ =	sdelay $0x3  }
0x96: {  	_ =	strace s2  }
0x97: {  	_ =	strace $0x8FFFFFFF  }
0x98: {  	s18 =	sld [smem:$0x3FDB];
	_ =	sdelay $0x1  }
0x99: {  	s19 =	simm.s32 $_scs_section_size  }
0x9a: {  	s4 =	simm.s32 $_size__tile_overlayer_lowered;
	s5 =	simm.s32 $_tile_overlayer_lowered  }
0x9b: {  	s22 =	simm.s32 $0x1BFF;
	s21 =	sshll.u32 s5, $0x1;
	s2 =	sadd.s32 s19, s18  }
0x9c: {  	s6 =	simm.s32 $0x0;
	s20 =	sshll.u32 s4, $0x1;
	s4 =	sadd.s32 s21, s2  }
0x9d: {  	[timem:s6], [sflag:s22] =	dma.local [hbm:s4], s20  }
0x9e: {  	_ =	swait.ge [sflag:s22], s20  }
0x9f: {  	s3 =	ssub.s32 $0x0, s20;
	[sflag:s22] =	ssyncset.done $0x0  }
0xa0: {  	[sflag:s22] =	ssyncadd.s32 s3;
	_ =	sdelay $0x1  }
0xa1: {  	s23 =	simm.s32 $0x1B8B  }
0xa2: {  	_ =	swait.ge [sflag:s23], $0x1  }
0xa3: {  	[sflag:s23] =	ssyncset.done $0x0  }
0xa4: {  	s25 =	simm.s32 $0x1B8E;
	s24 =	sld [smem:$0x3FFE];
	[sflag:s23] =	ssyncadd.s32 $0xFFFFFFFF  }
0xa5: {  	s26 =	simm.s32 $execute0_lowered;
	[smem:$0x3FD2] =	sst s25  }
0xa6: {  	s4 =	sshll.u32 s26, $0x1;
	_ =	strace $0x80000046;
	[dreg:$0x1] =	wrdreg $0xFFFFFFFF  }
0xa7: {  	s28 =	simm.s32 $_size_execute0_lowered;
	s2 =	sadd.s32 s2, s4;
	[dreg:$0x0] =	wrdreg $0x0  }
0xa8: {  	s4 =	sshll.u32 s28, $0x1;
	[dreg:$0x2] =	wrdreg s2  }
0xa9: {  	[dreg:$0x3] =	wrdreg s4  }
0xaa: {  	[dreg:$0x4] =	wrdreg $0xC0  }
0xab: {  	_ =	task [dreg:s6], $0x5FFFF  }
0xac: {  	[dreg:$0x1] =	wrdreg $0xFFFFFFFF  }
0xad: {  	[dreg:$0x0] =	wrdreg $0x60  }
0xae: {  	[dreg:$0x2] =	wrdreg s24  }
0xaf: {  	[dreg:$0x3] =	wrdreg $0x9  }
0xb0: {  	_ =	task.clear_ibuf [dreg:s6], $0x4FFFF;
	_ =	strace $0x90000046  }
0xb1: {  	s29 =	simm.s32 $0x9;
	_ =	strace $0x80000048  }
0xb2: {  	_ =	swait.ge [sflag:s29], $0x1  }
0xb3: {  	[sflag:s29] =	ssyncadd.s32 $0xFFFFFFFF  }
0xb4: {  	_ =	strace $0x90000048  }
0xb5: {  	_ =	sfence  }
0xb6: {  	s30 =	sld [smem:$0x0];
	_ =	sdelay $0x2  }
0xb7: {  	s31 =	sshll.u32 s1, $0xD;
	s1 =	sshrl.u32 s1, $0x2  }
0xb8: {  	s3 =	sand.u32 $0x4000, s31;
	s1 =	sadd.s32 s1, s30  }
0xb9: {  	s0 =	sor.u32 s3, s0;
	s1 =	sshll.u32 s1, $0x11  }
0xba: {  	s0 =	sor.u32 s1, s0  }
0xbb: {  	s0 =	sadd.s32 $0x8F2B, s0  }
0xbc: {  	[sflag:s0] =	ssyncadd.remote.s32 $0x1  }
0xbd: {  	_ =	sfence.sel $0xFFFF  }
0xbe: {  	[dreg:$0x0] =	wrdreg $0xFFFFFFFF;
	(pc) =	sbr.abs _section_cstart, $3  }
0xbf: {  	[dreg:$0x1] =	wrdreg $0xFFFFFFFF  }
0xc0: {  	_ =	task.clear_ibuf [dreg:s6], $0x2FFFF;
	_ =	strace $0x9FFFFFFF  }
0xc1: {  	(tm) =	ssettm $0x7FFFFFFF  }
tec
execute0_lowered:
.L_overlay_start_1:
0x0: {  	(tag) =	ssettag $0x1  }
0x1: {  	s1 =	srdreg.scid  }
0x2: {  	s0 =	stileid.u32;
	s11 =	sand.u32 $0x1, s1  }
0x3: {  	s31 =	sshll.u32 s0, $0xA;
	s2 =	sshll.u32 s11, $0x9  }
0x4: {  	s10 =	rddreg [dreg:$0x0];
	s12 =	sor.u32 s2, s31  }
0x5: {  	s1 =	rddreg [dreg:$0x1];
	s2 =	simm.s32 $0x0;
	s3 =	sshrl.u32 s12, $0x3  }
0x6: {  	[smem:$0x7FF] =	sst s2;
	s3 =	sadd.s32 s3, s10  }
0x7: {  	_ =	strace $0x80000047;
	s4 =	sadd.s32 $0x2200, s3;
	s3 =	simm.s32 $0x3  }
0x8: {  	[tilespmem:s2], [sflag:$0x3] =	stream.linear.gather [hbm4b:s4+s2], $0x200, $0x38;
	[tilespmem:$0x10200] =	vst v63  }
0x9: {  	_ =	swait.ge [sflag:s3], $0x200  }
0xa: {  	s6 =	simm.s32 $0x100;
	[sflag:s3] =	ssyncset.done $0x0  }
0xb: {  	s7 =	simm.s32 $0x200;
	s5 =	sadd.s32 $0x2A00, s10;
	[sflag:s3] =	ssyncadd.s32 $0xFFFFFE00  }
0xc: {  	[tilespmem:s7], [sflag:$0x1] =	stream.indirect.gather [hbm4b:s5+s6], $0x80, s2, s6, $0xb8;
	[tilespmem:$0x10200] =	vst v63  }
0xd: {  	s8 =	simm.s32 $0x8200;
	s9 =	simm.s32 $0x1  }
0xe: {  	[tilespmem:s8], [sflag:$0x2] =	stream.indirect.gather [hbm4b:s5+s6], $0x80, s6, s6, $0xb8;
	[tilespmem:$0x10200] =	vst v63  }
0xf: {  	s12 =	sshll.u32 s12, $0x4;
	_ =	swait.ge [sflag:s9], $0x8000  }
0x10: {  	s12 =	sadd.s32 s12, s10;
	[sflag:s9] =	ssyncset.done $0x0  }
0x11: {  	s13 =	ssub.s32 $0x2, s11;
	s10 =	sadd.s32 $0x6A00, s12;
	[sflag:s9] =	ssyncadd.s32 $0xFFFF8000  }
0x12: {  	[hbm4b:s10+s2] =	stream.linear.scatter [tilespmem:s7], [sflag:$0x3], $0x8000, $0x38;
	[tilespmem:$0x10200] =	vst v63  }
0x13: {  	s14 =	sshrl.u32 s13, $0x1;
	_ =	swait.ge [sflag:s3], $0x8000  }
0x14: {  	s13 =	ssub.s32 s13, s14;
	[sflag:s3] =	ssyncset.done $0x0  }
0x15: {  	s11 =	simm.s32 $0x2;
	s13 =	smax.u32 s13, $0x1;
	[sflag:s3] =	ssyncadd.s32 $0xFFFF8000  }
0x16: {  	p0 =	sne.s32 s13, $0x1;
	_ =	swait.ge [sflag:s11], $0x8000  }
.Ltmp0:
0x17: {  	[sflag:s11] =	ssyncset.done $0x0;
	(pc) =	sbr.rel @!p0 .LBB2_2-.Ltmp0, $4  }
0x18: {  	s12 =	sadd.s32 $0x7A00, s12;
	[sflag:s11] =	ssyncadd.s32 $0xFFFF8000  }
0x19: {  	[hbm4b:s12+s2] =	stream.linear.scatter [tilespmem:s8], [sflag:$0x3], $0x8000, $0x38;
	[tilespmem:$0x10200] =	vst v63  }
0x1a: {  	_ =	swait.ge [sflag:s3], $0x8000  }
0x1b: {  	s13 =	sadd.s32 $0xFFFFFFFF, s13;
	[sflag:s3] =	ssyncset.done $0x0  }
.LBB2_1:
0x1c: {  	p0 =	sne.s32 s13, $0x1;
	s13 =	sadd.s32 $0xFFFFFFFF, s13;
	[sflag:s3] =	ssyncadd.s32 $0xFFFF8000  }
0x1d: {  	[tilespmem:s2], [sflag:$0x3] =	stream.linear.gather [hbm4b:s4+s2], $0x200, $0x38;
	[tilespmem:$0x10200] =	vst v63  }
0x1e: {  	_ =	swait.ge [sflag:s3], $0x200  }
0x1f: {  	[sflag:s3] =	ssyncset.done $0x0  }
0x20: {  	[sflag:s3] =	ssyncadd.s32 $0xFFFFFE00  }
0x21: {  	[tilespmem:s7], [sflag:$0x1] =	stream.indirect.gather [hbm4b:s5+s6], $0x80, s2, s6, $0xb8;
	[tilespmem:$0x10200] =	vst v63  }
0x22: {  	_ = 	snop  }
0x23: {  	[tilespmem:s8], [sflag:$0x2] =	stream.indirect.gather [hbm4b:s5+s6], $0x80, s6, s6, $0xb8;
	[tilespmem:$0x10200] =	vst v63  }
0x24: {  	_ =	swait.ge [sflag:s9], $0x8000  }
0x25: {  	[sflag:s9] =	ssyncset.done $0x0  }
0x26: {  	[sflag:s9] =	ssyncadd.s32 $0xFFFF8000  }
0x27: {  	[hbm4b:s10+s2] =	stream.linear.scatter [tilespmem:s7], [sflag:$0x3], $0x8000, $0x38;
	[tilespmem:$0x10200] =	vst v63  }
0x28: {  	_ =	swait.ge [sflag:s3], $0x8000  }
0x29: {  	[sflag:s3] =	ssyncset.done $0x0  }
0x2a: {  	[sflag:s3] =	ssyncadd.s32 $0xFFFF8000  }
0x2b: {  	_ =	swait.ge [sflag:s11], $0x8000  }
.Ltmp1:
0x2c: {  	[sflag:s11] =	ssyncset.done $0x0;
	(pc) =	sbr.rel @p0 .LBB2_1-.Ltmp1, $4  }
0x2d: {  	[sflag:s11] =	ssyncadd.s32 $0xFFFF8000  }
0x2e: {  	[hbm4b:s12+s2] =	stream.linear.scatter [tilespmem:s8], [sflag:$0x3], $0x8000, $0x38;
	[tilespmem:$0x10200] =	vst v63  }
0x2f: {  	_ =	swait.ge [sflag:s3], $0x8000  }
0x30: {  	[sflag:s3] =	ssyncset.done $0x0  }
.LBB2_2:
0x31: {  	[sflag:s3] =	ssyncadd.s32 $0xFFFF8000  }
0x32: {  	_ =	sfence.sel $0x180000  }
0x33: {  	[bflag:$0x0] =	sbarrier.arrive $0xFFFF  }
0x34: {  	p0 =	sne.s32 s0, $0x0;
	_ =	strace $0x90000047  }
0x35: {  	s0 =	sadd.s32 @!p0 $0x100000, s1;
	[bflag:$0x2] =	sbarrier.arrive $0xFFFF  }
0x36: {  	[sflag:s0] =	ssyncadd.tile.s32 @!p0 $0x1;
	_ =	shalt  }
.Lfunc_end2:
_tile_overlayer_lowered:
.L_overlay_start_2:
0x37: {  	(tag) =	ssettag $0x2  }
0x38: {  	s0 =	rddreg [dreg:$0x0];
	s2 =	stileid.u32  }
0x39: {  	s1 =	rddreg [dreg:$0x1];
	p0 =	sne.s32 s2, $0x0  }
0x3a: {  	s3 =	rddreg [dreg:$0x2];
	[bflag:$0x3] =	sbarrier.arrive $0xFFFF;
	s2 =	simm.s32 @!p0 $0x1C03  }
0x3b: {  	[timem:s3], [sflag:s2] =	dma.local @!p0 [hbm:s0], s1  }
0x3c: {  	s0 =	simm.s32 @!p0 $0x3  }
0x3d: {  	_ =	swait.ge @!p0 [sflag:s0], s1  }
0x3e: {  	s1 =	ssub.s32 @!p0 $0x0, s1;
	[sflag:s0] =	ssyncset.done @!p0 $0x0  }
0x3f: {  	[sflag:s0] =	ssyncadd.s32 @!p0 s1  }
0x40: {  	[bflag:$0x3] =	sbarrier.arrive $0xFFFF  }
0x41: {  	_ =	shalt  }

// kernel: kernel.13.cloned.1.call-start
scs
__scs_entry_jumppad:
0x0: {  	(pc) =	sbr.rel $0x88, $3  }
0x1: {  	(tag) =	ssettag $0x0;
	lr =	simm.s32 $0x1  }
0x2: {  	[smem:$0x3F9F] =	sst lr;
	_ =	strace $0xD0000000  }
0x3: {  	_ = 	snop  }
0x4: {  	_ = 	snop  }
0x5: {  	_ = 	snop  }
0x6: {  	_ = 	snop  }
0x7: {  	_ = 	snop  }
__scs_overlays_trampoline_lowered:
0x8: {  	[smem:$0x3FAE] =	sst s0  }
0x9: {  	[smem:$0x3FAF] =	sst s1  }
0xa: {  	[smem:$0x3FB0] =	sst s2  }
0xb: {  	[smem:$0x3FB1] =	sst s3  }
0xc: {  	[smem:$0x3FB2] =	sst s4  }
0xd: {  	[smem:$0x3FB3] =	sst s5  }
0xe: {  	[smem:$0x3FB4] =	sst s6  }
0xf: {  	[smem:$0x3FB5] =	sst s7  }
0x10: {  	[smem:$0x3FB6] =	sst s8  }
0x11: {  	[smem:$0x3FB7] =	sst s9;
	s0 =	simm.s32 @!p0 $0x0  }
0x12: {  	s1 =	sld [smem:$0x3F9D];
	s0 =	simm.s32 @p0 $0x1  }
0x13: {  	[smem:$0x3FB8] =	sst s0;
	s0 =	simm.s32 @!p1 $0x0  }
0x14: {  	s2 =	sld [smem:$0x3F9C];
	s0 =	simm.s32 @p1 $0x1  }
0x15: {  	[smem:$0x3FB9] =	sst s0;
	s0 =	simm.s32 @!p2 $0x0  }
0x16: {  	s3 =	sld [smem:$0x3FDB];
	s0 =	simm.s32 @p2 $0x1  }
0x17: {  	s4 =	simm.s32 $0x1BF5;
	[smem:$0x3FBB] =	sst s0  }
0x18: {  	s0 =	sld [smem:$0x3F9E];
	_ =	swait.ge [sflag:s4], $0x0  }
0x19: {  	s7 =	sld [smem:$0x3F9F]  }
0x1a: {  	s8 =	sadd.s32 $0xFFFFE003, lr  }
0x1b: {  	s9 =	sadd.s32 $0xFFFFFEF7, lr;
	s5 =	simm.s32 $0xFFFFFFFF;
	p2 =	slt.u32 s8, $0xFFFFF086  }
0x1c: {  	p1 =	slt.u32 s9, $0xF7A;
	s5 =	simm.s32 @!p2 $0x0  }
0x1d: {  	s5 =	simm.s32 @p1 $0x1;
	p0 =	seq.s32 s7, s2  }
0x1e: {  	s7 =	smul.u32 @!p0 $0xF7A, s2;
	p2 =	seq.s32 @!p0 s5, $0x0  }
0x1f: {  	s9 =	smul.u32 $0xF7A, s1;
	s8 =	simm.s32 @!p0 $0x1BF5;
	p2 =	por !p2, p0  }
0x20: {  	[sflag:s8] =	ssyncset.s32 @!p0 $0xFFFFF086;
	s6 =	sadd.s32 @!p0 s3, s7;
	s7 =	simm.s32 @!p0 $0x108  }
0x21: {  	s3 =	sadd.s32 s3, s9;
	s6 =	sadd.s32 @!p0 $0x88, s6;
	s7 =	simm.s32 @p2 $0x1082  }
0x22: {  	[simem:s7], [sflag:s8] =	dma.local @!p0 [hbm:s6], $0xF7A  }
0x23: {  	s9 =	sor.u32 $0xD0000000, s2;
	s6 =	simm.s32 $0x108;
	_ =	swait.ge @!p0 [sflag:s8], $0x0  }
0x24: {  	s3 =	sadd.s32 $0x88, s3;
	s6 =	simm.s32 @!p1 $0x1082;
	[sflag:s4] =	ssyncset.s32 $0xFFFFF086  }
0x25: {  	[simem:s6], [sflag:s4] =	dma.local [hbm:s3], $0xF7A  }
0x26: {  	[smem:$0x3F9F] =	sst s1;
	(tag) =	ssettag s2;
	_ =	strace s9  }
0x27: {  	s1 =	sld [smem:$0x3FAF]  }
0x28: {  	s2 =	sld [smem:$0x3FB0]  }
0x29: {  	s4 =	sld [smem:$0x3FB2]  }
0x2a: {  	p0 =	seq.s32 s5, $0x0;
	s5 =	sld [smem:$0x3FB3]  }
0x2b: {  	s6 =	sld [smem:$0x3FB4]  }
0x2c: {  	s7 =	sld [smem:$0x3FB5]  }
0x2d: {  	s3 =	simm.s32 $0x108;
	s8 =	sld [smem:$0x3FB6]  }
0x2e: {  	s3 =	simm.s32 @!p0 $0x1082;
	s9 =	sld [smem:$0x3FB7]  }
0x2f: {  	lr =	sadd.s32 s0, s3;
	s0 =	sld [smem:$0x3FAE]  }
0x30: {  	s3 =	sld [smem:$0x3FB1]  }
0x31: {  	[smem:$0x3FBA] =	sst s10  }
0x32: {  	s10 =	sld [smem:$0x3FB8];
	_ =	sdelay $0x3  }
0x33: {  	p0 =	seq.s32 s10, $0x1;
	s10 =	sld [smem:$0x3FBA];
	_ =	sdelay $0x3  }
0x34: {  	[smem:$0x3FBA] =	sst s10  }
0x35: {  	s10 =	sld [smem:$0x3FB9];
	_ =	sdelay $0x3  }
0x36: {  	p1 =	seq.s32 s10, $0x1;
	s10 =	sld [smem:$0x3FBA];
	_ =	sdelay $0x3  }
0x37: {  	[smem:$0x3FBA] =	sst s10  }
0x38: {  	s10 =	sld [smem:$0x3FBB]  }
0x39: {  	_ = 	snop;
	(pc) =	sbr.ind lr, $3  }
0x3a: {  	_ = 	snop  }
0x3b: {  	_ = 	snop  }
0x3c: {  	p2 =	seq.s32 s10, $0x1;
	s10 =	sld [smem:$0x3FBA]  }
0x3d: {  	_ =	shalt  }
0x3e: {  	_ =	shalt  }
0x3f: {  	_ =	shalt  }
0x40: {  	_ =	shalt  }
0x41: {  	_ =	shalt  }
0x42: {  	_ =	shalt  }
0x43: {  	_ =	shalt  }
0x44: {  	_ =	shalt  }
0x45: {  	_ =	shalt  }
0x46: {  	_ =	shalt  }
0x47: {  	_ =	shalt  }
0x48: {  	_ =	shalt  }
0x49: {  	_ =	shalt  }
0x4a: {  	_ =	shalt  }
0x4b: {  	_ =	shalt  }
0x4c: {  	_ =	shalt  }
0x4d: {  	_ =	shalt  }
0x4e: {  	_ =	shalt  }
0x4f: {  	_ =	shalt  }
0x50: {  	_ =	shalt  }
0x51: {  	_ =	shalt  }
0x52: {  	_ =	shalt  }
0x53: {  	_ =	shalt  }
0x54: {  	_ =	shalt  }
0x55: {  	_ =	shalt  }
0x56: {  	_ =	shalt  }
0x57: {  	_ =	shalt  }
0x58: {  	_ =	shalt  }
0x59: {  	_ =	shalt  }
0x5a: {  	_ =	shalt  }
0x5b: {  	_ =	shalt  }
0x5c: {  	_ =	shalt  }
0x5d: {  	_ =	shalt  }
0x5e: {  	_ =	shalt  }
0x5f: {  	_ =	shalt  }
0x60: {  	_ =	shalt  }
0x61: {  	_ =	shalt  }
0x62: {  	_ =	shalt  }
0x63: {  	_ =	shalt  }
0x64: {  	_ =	shalt  }
0x65: {  	_ =	shalt  }
0x66: {  	_ =	shalt  }
0x67: {  	_ =	shalt  }
0x68: {  	_ =	shalt  }
0x69: {  	_ =	shalt  }
0x6a: {  	_ =	shalt  }
0x6b: {  	_ =	shalt  }
0x6c: {  	_ =	shalt  }
0x6d: {  	_ =	shalt  }
0x6e: {  	_ =	shalt  }
0x6f: {  	_ =	shalt  }
0x70: {  	_ =	shalt  }
0x71: {  	_ =	shalt  }
0x72: {  	_ =	shalt  }
0x73: {  	_ =	shalt  }
0x74: {  	_ =	shalt  }
0x75: {  	_ =	shalt  }
0x76: {  	_ =	shalt  }
0x77: {  	_ =	shalt  }
0x78: {  	_ =	shalt  }
0x79: {  	_ =	shalt  }
0x7a: {  	_ =	shalt  }
0x7b: {  	_ =	shalt  }
0x7c: {  	_ =	shalt  }
0x7d: {  	_ =	shalt  }
0x7e: {  	_ =	shalt  }
0x7f: {  	_ =	shalt  }
0x80: {  	_ =	shalt  }
0x81: {  	_ =	shalt  }
0x82: {  	_ =	shalt  }
0x83: {  	_ =	shalt  }
0x84: {  	_ =	shalt  }
0x85: {  	_ =	shalt  }
0x86: {  	_ =	shalt  }
0x87: {  	_ =	shalt  }
.Lfunc_end0:
.L_simem_size_0:
called_computation.1_lowered:
.L_overlay_start_0:
0x88: {  	s2 =	sld [smem:$0x3FD9]  }
0x89: {  	s3 =	sld [smem:$0x3FFE];
	_ =	sdelay $0x1  }
0x8a: {  	s1 =	srdreg.scid  }
0x8b: {  	s0 =	sand.u32 $0x1, s1  }
0x8c: {  	s15 =	sshll.u32 s0, $0xA;
	s2 =	sadd.s32 s3, s2  }
0x8d: {  	s2 =	sadd.s32 s2, s15  }
0x8e: {  	[smem:$0x3FC6] =	sst s2  }
0x8f: {  	_ = 	snop  }
0x90: {  	s2 =	sld [smem:$0x3FD0];
	_ =	sdelay $0x2  }
0x91: {  	s16 =	simm.s32 $0xD;
	s4 =	simm.s32 $0x10  }
0x92: {  	[smem:s4], [sflag:s16] =	dma.local [hbm:s2], $0x1  }
0x93: {  	_ =	swait.eq [sflag:s16], $0x1  }
0x94: {  	[sflag:s16] =	ssyncset.done $0x0  }
0x95: {  	[sflag:s16] =	ssyncadd.s32 $0xFFFFFFFF  }
0x96: {  	s17 =	sld [smem:$0x11];
	(tm) =	ssettm $0x1  }
0x97: {  	s18 =	sld [smem:$0x3FFB];
	_ =	sdelay $0x3  }
0x98: {  	_ =	strace s18  }
0x99: {  	s2 =	sld [smem:$0x3FFC];
	_ =	sdelay $0x3  }
0x9a: {  	_ =	strace s2  }
0x9b: {  	s2 =	sld [smem:$0x3FFD];
	_ =	sdelay $0x3  }
0x9c: {  	_ =	strace s2  }
0x9d: {  	_ =	strace $0x8FFFFFFF  }
0x9e: {  	s19 =	sld [smem:$0x3FDB];
	_ =	sdelay $0x1  }
0x9f: {  	s20 =	simm.s32 $_scs_section_size  }
0xa0: {  	s5 =	simm.s32 $_size__tile_overlayer_lowered;
	s6 =	simm.s32 $_tile_overlayer_lowered  }
0xa1: {  	s7 =	simm.s32 $0x1BFF;
	s21 =	sshll.u32 s6, $0x1;
	s4 =	sadd.s32 s20, s19  }
0xa2: {  	s22 =	simm.s32 $0x0;
	s5 =	sshll.u32 s5, $0x1;
	s6 =	sadd.s32 s21, s4  }
0xa3: {  	[timem:s22], [sflag:s7] =	dma.local [hbm:s6], s5  }
0xa4: {  	_ =	swait.ge [sflag:s7], s5  }
0xa5: {  	s5 =	ssub.s32 $0x0, s5;
	[sflag:s7] =	ssyncset.done $0x0  }
0xa6: {  	[sflag:s7] =	ssyncadd.s32 s5;
	_ =	sdelay $0x1  }
0xa7: {  	s23 =	simm.s32 $0x1B8B  }
0xa8: {  	_ =	swait.ge [sflag:s23], $0x1  }
0xa9: {  	[sflag:s23] =	ssyncset.done $0x0  }
0xaa: {  	[sflag:s23] =	ssyncadd.s32 $0xFFFFFFFF  }
0xab: {  	s5 =	sld [smem:$0x0]  }
0xac: {  	s6 =	sand.u32 $0xFFFFFFFE, s1  }
0xad: {  	p0 =	sne.s32 s1, s6  }
0xae: {  	s6 =	sshll.u32 @p0 s6, $0xE  }
0xaf: {  	s6 =	sadd.s32 @p0 $0x11B8D, s6;
	s7 =	sshll.u32 @p0 s5, $0x11  }
0xb0: {  	s6 =	sor.u32 @p0 s7, s6  }
0xb1: {  	[sflag:s6] =	ssyncadd.remote.s32 @p0 $0x1;
	_ =	sdelay $0x1  }
0xb2: {  	s6 =	simm.s32 @p0 $0x1B8D  }
0xb3: {  	_ =	swait.eq @p0 [sflag:s6], $0x1  }
0xb4: {  	[sflag:s6] =	ssyncadd.s32 @p0 $0xFFFFFFFF  }
0xb5: {  	s7 =	sshll.u32 @!p0 s1, $0xE  }
0xb6: {  	s7 =	sor.u32 @!p0 $0x4000, s7;
	s6 =	simm.s32 @!p0 $0x1B8D  }
0xb7: {  	s5 =	sshll.u32 @!p0 s5, $0x11;
	s7 =	sadd.s32 @!p0 $0x11B8D, s7;
	_ =	swait.eq @!p0 [sflag:s6], $0x1  }
0xb8: {  	s5 =	sor.u32 @!p0 s5, s7;
	[sflag:s6] =	ssyncadd.s32 @!p0 $0xFFFFFFFF  }
0xb9: {  	s25 =	simm.s32 $0x1B8E;
	s24 =	sld [smem:$0x3FFE];
	[sflag:s5] =	ssyncadd.remote.s32 @!p0 $0x1  }
0xba: {  	s26 =	simm.s32 $execute0_lowered;
	[smem:$0x3FD2] =	sst s25  }
0xbb: {  	s6 =	sshll.u32 s26, $0x1;
	_ =	strace $0x8000004F;
	[dreg:$0x1] =	wrdreg $0xFFFFFFFF  }
0xbc: {  	s28 =	simm.s32 $_size_execute0_lowered;
	s4 =	sadd.s32 s4, s6;
	[dreg:$0x0] =	wrdreg $0x0  }
0xbd: {  	s6 =	sshll.u32 s28, $0x1;
	[dreg:$0x2] =	wrdreg s4  }
0xbe: {  	[dreg:$0x3] =	wrdreg s6  }
0xbf: {  	[dreg:$0x4] =	wrdreg $0xC0  }
0xc0: {  	_ =	task [dreg:s22], $0x5FFFF  }
0xc1: {  	[dreg:$0x1] =	wrdreg $0xFFFFFFFF  }
0xc2: {  	[dreg:$0x0] =	wrdreg $0x60  }
0xc3: {  	[dreg:$0x2] =	wrdreg s24  }
0xc4: {  	[dreg:$0x3] =	wrdreg s17  }
0xc5: {  	[dreg:$0x4] =	wrdreg $0xA  }
0xc6: {  	_ =	task.clear_ibuf [dreg:s22], $0x5FFFF;
	_ =	strace $0x9000004F  }
0xc7: {  	s29 =	simm.s32 $0xA;
	_ =	strace $0x80000051  }
0xc8: {  	_ =	swait.ge [sflag:s29], $0x1  }
0xc9: {  	[sflag:s29] =	ssyncadd.s32 $0xFFFFFFFF  }
0xca: {  	_ =	strace $0x90000051  }
0xcb: {  	_ =	sfence  }
0xcc: {  	s30 =	sld [smem:$0x0];
	_ =	sdelay $0x2  }
0xcd: {  	s31 =	sshll.u32 s1, $0xD;
	s1 =	sshrl.u32 s1, $0x2  }
0xce: {  	s4 =	sand.u32 $0x4000, s31;
	s1 =	sadd.s32 s1, s30  }
0xcf: {  	s0 =	sor.u32 s4, s0;
	s1 =	sshll.u32 s1, $0x11  }
0xd0: {  	s0 =	sor.u32 s1, s0  }
0xd1: {  	s0 =	sadd.s32 $0x8F2B, s0  }
0xd2: {  	[sflag:s0] =	ssyncadd.remote.s32 $0x1  }
0xd3: {  	_ =	sfence.sel $0xFFFF  }
0xd4: {  	[dreg:$0x0] =	wrdreg $0xFFFFFFFF;
	(pc) =	sbr.abs _section_cstart, $3  }
0xd5: {  	[dreg:$0x1] =	wrdreg $0xFFFFFFFF  }
0xd6: {  	_ =	task.clear_ibuf [dreg:s22], $0x2FFFF;
	_ =	strace $0x9FFFFFFF  }
0xd7: {  	(tm) =	ssettm $0x7FFFFFFF  }
tec
execute0_lowered:
.L_overlay_start_1:
0x0: {  	(tag) =	ssettag $0x1  }
0x1: {  	s1 =	srdreg.scid  }
0x2: {  	s0 =	stileid.u32;
	s11 =	sand.u32 $0x1, s1  }
0x3: {  	s5 =	rddreg [dreg:$0x0];
	s30 =	sshll.u32 s0, $0xA;
	s2 =	sshll.u32 s11, $0x9  }
0x4: {  	s10 =	rddreg [dreg:$0x1];
	s12 =	sor.u32 s2, s30  }
0x5: {  	s1 =	rddreg [dreg:$0x2];
	s2 =	simm.s32 $0x0;
	s3 =	sshrl.u32 s12, $0x3  }
0x6: {  	[smem:$0x7FF] =	sst s2;
	s3 =	sadd.s32 s3, s5  }
0x7: {  	_ =	strace $0x80000050;
	s4 =	sadd.s32 $0xC7A00, s3;
	s3 =	simm.s32 $0x3  }
0x8: {  	[tilespmem:s2], [sflag:$0x3] =	stream.linear.gather [hbm4b:s4+s2], $0x200, $0x38;
	[tilespmem:$0x10200] =	vst v63  }
0x9: {  	_ =	swait.ge [sflag:s3], $0x200  }
0xa: {  	s6 =	simm.s32 $0x100;
	[sflag:s3] =	ssyncset.done $0x0  }
0xb: {  	s7 =	simm.s32 $0x200;
	s5 =	sadd.s32 $0x2A00, s5;
	[sflag:s3] =	ssyncadd.s32 $0xFFFFFE00  }
0xc: {  	[tilespmem:s7], [sflag:$0x1] =	stream.indirect.gather [hbm4b:s5+s6], $0x80, s2, s6, $0xb8;
	[tilespmem:$0x10200] =	vst v63  }
0xd: {  	s8 =	simm.s32 $0x8200;
	s9 =	simm.s32 $0x1  }
0xe: {  	[tilespmem:s8], [sflag:$0x2] =	stream.indirect.gather [hbm4b:s5+s6], $0x80, s6, s6, $0xb8;
	[tilespmem:$0x10200] =	vst v63  }
0xf: {  	_ =	swait.ge [sflag:s9], $0x8000  }
0x10: {  	s12 =	sshll.u32 s12, $0x4;
	[sflag:s9] =	ssyncset.done $0x0  }
0x11: {  	s31 =	ssub.s32 $0x2, s11;
	s10 =	sadd.s32 s10, s12;
	[sflag:s9] =	ssyncadd.s32 $0xFFFF8000  }
0x12: {  	[hbm4b:s10+s2] =	stream.linear.scatter [tilespmem:s7], [sflag:$0x3], $0x8000, $0x38;
	[tilespmem:$0x10200] =	vst v63  }
0x13: {  	s13 =	sshrl.u32 s31, $0x1;
	_ =	swait.ge [sflag:s3], $0x8000  }
0x14: {  	s13 =	ssub.s32 s31, s13;
	[sflag:s3] =	ssyncset.done $0x0  }
0x15: {  	s11 =	simm.s32 $0x2;
	s13 =	smax.u32 s13, $0x1;
	[sflag:s3] =	ssyncadd.s32 $0xFFFF8000  }
0x16: {  	p0 =	sne.s32 s13, $0x1;
	_ =	swait.ge [sflag:s11], $0x8000  }
.Ltmp0:
0x17: {  	[sflag:s11] =	ssyncset.done $0x0;
	(pc) =	sbr.rel @!p0 .LBB2_2-.Ltmp0, $4  }
0x18: {  	s12 =	sadd.s32 $0x1000, s10;
	[sflag:s11] =	ssyncadd.s32 $0xFFFF8000  }
0x19: {  	[hbm4b:s12+s2] =	stream.linear.scatter [tilespmem:s8], [sflag:$0x3], $0x8000, $0x38;
	[tilespmem:$0x10200] =	vst v63  }
0x1a: {  	_ =	swait.ge [sflag:s3], $0x8000  }
0x1b: {  	s13 =	sadd.s32 $0xFFFFFFFF, s13;
	[sflag:s3] =	ssyncset.done $0x0  }
.LBB2_1:
0x1c: {  	p0 =	sne.s32 s13, $0x1;
	s13 =	sadd.s32 $0xFFFFFFFF, s13;
	[sflag:s3] =	ssyncadd.s32 $0xFFFF8000  }
0x1d: {  	[tilespmem:s2], [sflag:$0x3] =	stream.linear.gather [hbm4b:s4+s2], $0x200, $0x38;
	[tilespmem:$0x10200] =	vst v63  }
0x1e: {  	_ =	swait.ge [sflag:s3], $0x200  }
0x1f: {  	[sflag:s3] =	ssyncset.done $0x0  }
0x20: {  	[sflag:s3] =	ssyncadd.s32 $0xFFFFFE00  }
0x21: {  	[tilespmem:s7], [sflag:$0x1] =	stream.indirect.gather [hbm4b:s5+s6], $0x80, s2, s6, $0xb8;
	[tilespmem:$0x10200] =	vst v63  }
0x22: {  	_ = 	snop  }
0x23: {  	[tilespmem:s8], [sflag:$0x2] =	stream.indirect.gather [hbm4b:s5+s6], $0x80, s6, s6, $0xb8;
	[tilespmem:$0x10200] =	vst v63  }
0x24: {  	_ =	swait.ge [sflag:s9], $0x8000  }
0x25: {  	[sflag:s9] =	ssyncset.done $0x0  }
0x26: {  	[sflag:s9] =	ssyncadd.s32 $0xFFFF8000  }
0x27: {  	[hbm4b:s10+s2] =	stream.linear.scatter [tilespmem:s7], [sflag:$0x3], $0x8000, $0x38;
	[tilespmem:$0x10200] =	vst v63  }
0x28: {  	_ =	swait.ge [sflag:s3], $0x8000  }
0x29: {  	[sflag:s3] =	ssyncset.done $0x0  }
0x2a: {  	[sflag:s3] =	ssyncadd.s32 $0xFFFF8000  }
0x2b: {  	_ =	swait.ge [sflag:s11], $0x8000  }
.Ltmp1:
0x2c: {  	[sflag:s11] =	ssyncset.done $0x0;
	(pc) =	sbr.rel @p0 .LBB2_1-.Ltmp1, $4  }
0x2d: {  	[sflag:s11] =	ssyncadd.s32 $0xFFFF8000  }
0x2e: {  	[hbm4b:s12+s2] =	stream.linear.scatter [tilespmem:s8], [sflag:$0x3], $0x8000, $0x38;
	[tilespmem:$0x10200] =	vst v63  }
0x2f: {  	_ =	swait.ge [sflag:s3], $0x8000  }
0x30: {  	[sflag:s3] =	ssyncset.done $0x0  }
.LBB2_2:
0x31: {  	[sflag:s3] =	ssyncadd.s32 $0xFFFF8000  }
0x32: {  	_ =	sfence.sel $0x180000  }
0x33: {  	[bflag:$0x0] =	sbarrier.arrive $0xFFFF  }
0x34: {  	p0 =	sne.s32 s0, $0x0;
	_ =	strace $0x90000050  }
0x35: {  	s0 =	sadd.s32 @!p0 $0x100000, s1;
	[bflag:$0x2] =	sbarrier.arrive $0xFFFF  }
0x36: {  	[sflag:s0] =	ssyncadd.tile.s32 @!p0 $0x1;
	_ =	shalt  }
.Lfunc_end2:
_tile_overlayer_lowered:
.L_overlay_start_2:
0x37: {  	(tag) =	ssettag $0x2  }
0x38: {  	s0 =	rddreg [dreg:$0x0];
	s2 =	stileid.u32  }
0x39: {  	s1 =	rddreg [dreg:$0x1];
	p0 =	sne.s32 s2, $0x0  }
0x3a: {  	s3 =	rddreg [dreg:$0x2];
	[bflag:$0x3] =	sbarrier.arrive $0xFFFF;
	s2 =	simm.s32 @!p0 $0x1C03  }
0x3b: {  	[timem:s3], [sflag:s2] =	dma.local @!p0 [hbm:s0], s1  }
0x3c: {  	s0 =	simm.s32 @!p0 $0x3  }
0x3d: {  	_ =	swait.ge @!p0 [sflag:s0], s1  }
0x3e: {  	s1 =	ssub.s32 @!p0 $0x0, s1;
	[sflag:s0] =	ssyncset.done @!p0 $0x0  }
0x3f: {  	[sflag:s0] =	ssyncadd.s32 @!p0 s1  }
0x40: {  	[bflag:$0x3] =	sbarrier.arrive $0xFFFF  }
0x41: {  	_ =	shalt  }

// kernel: kernel.16.cloned.1.call-start
scs
__scs_entry_jumppad:
0x0: {  	(pc) =	sbr.rel $0x88, $3  }
0x1: {  	(tag) =	ssettag $0x0;
	lr =	simm.s32 $0x1  }
0x2: {  	[smem:$0x3F9F] =	sst lr;
	_ =	strace $0xD0000000  }
0x3: {  	_ = 	snop  }
0x4: {  	_ = 	snop  }
0x5: {  	_ = 	snop  }
0x6: {  	_ = 	snop  }
0x7: {  	_ = 	snop  }
__scs_overlays_trampoline_lowered:
0x8: {  	[smem:$0x3FAE] =	sst s0  }
0x9: {  	[smem:$0x3FAF] =	sst s1  }
0xa: {  	[smem:$0x3FB0] =	sst s2  }
0xb: {  	[smem:$0x3FB1] =	sst s3  }
0xc: {  	[smem:$0x3FB2] =	sst s4  }
0xd: {  	[smem:$0x3FB3] =	sst s5  }
0xe: {  	[smem:$0x3FB4] =	sst s6  }
0xf: {  	[smem:$0x3FB5] =	sst s7  }
0x10: {  	[smem:$0x3FB6] =	sst s8  }
0x11: {  	[smem:$0x3FB7] =	sst s9;
	s0 =	simm.s32 @!p0 $0x0  }
0x12: {  	s1 =	sld [smem:$0x3F9D];
	s0 =	simm.s32 @p0 $0x1  }
0x13: {  	[smem:$0x3FB8] =	sst s0;
	s0 =	simm.s32 @!p1 $0x0  }
0x14: {  	s2 =	sld [smem:$0x3F9C];
	s0 =	simm.s32 @p1 $0x1  }
0x15: {  	[smem:$0x3FB9] =	sst s0;
	s0 =	simm.s32 @!p2 $0x0  }
0x16: {  	s3 =	sld [smem:$0x3FDB];
	s0 =	simm.s32 @p2 $0x1  }
0x17: {  	s4 =	simm.s32 $0x1BF5;
	[smem:$0x3FBB] =	sst s0  }
0x18: {  	s0 =	sld [smem:$0x3F9E];
	_ =	swait.ge [sflag:s4], $0x0  }
0x19: {  	s7 =	sld [smem:$0x3F9F]  }
0x1a: {  	s8 =	sadd.s32 $0xFFFFE003, lr  }
0x1b: {  	s9 =	sadd.s32 $0xFFFFFEF7, lr;
	s5 =	simm.s32 $0xFFFFFFFF;
	p2 =	slt.u32 s8, $0xFFFFF086  }
0x1c: {  	p1 =	slt.u32 s9, $0xF7A;
	s5 =	simm.s32 @!p2 $0x0  }
0x1d: {  	s5 =	simm.s32 @p1 $0x1;
	p0 =	seq.s32 s7, s2  }
0x1e: {  	s7 =	smul.u32 @!p0 $0xF7A, s2;
	p2 =	seq.s32 @!p0 s5, $0x0  }
0x1f: {  	s9 =	smul.u32 $0xF7A, s1;
	s8 =	simm.s32 @!p0 $0x1BF5;
	p2 =	por !p2, p0  }
0x20: {  	[sflag:s8] =	ssyncset.s32 @!p0 $0xFFFFF086;
	s6 =	sadd.s32 @!p0 s3, s7;
	s7 =	simm.s32 @!p0 $0x108  }
0x21: {  	s3 =	sadd.s32 s3, s9;
	s6 =	sadd.s32 @!p0 $0x88, s6;
	s7 =	simm.s32 @p2 $0x1082  }
0x22: {  	[simem:s7], [sflag:s8] =	dma.local @!p0 [hbm:s6], $0xF7A  }
0x23: {  	s9 =	sor.u32 $0xD0000000, s2;
	s6 =	simm.s32 $0x108;
	_ =	swait.ge @!p0 [sflag:s8], $0x0  }
0x24: {  	s3 =	sadd.s32 $0x88, s3;
	s6 =	simm.s32 @!p1 $0x1082;
	[sflag:s4] =	ssyncset.s32 $0xFFFFF086  }
0x25: {  	[simem:s6], [sflag:s4] =	dma.local [hbm:s3], $0xF7A  }
0x26: {  	[smem:$0x3F9F] =	sst s1;
	(tag) =	ssettag s2;
	_ =	strace s9  }
0x27: {  	s1 =	sld [smem:$0x3FAF]  }
0x28: {  	s2 =	sld [smem:$0x3FB0]  }
0x29: {  	s4 =	sld [smem:$0x3FB2]  }
0x2a: {  	p0 =	seq.s32 s5, $0x0;
	s5 =	sld [smem:$0x3FB3]  }
0x2b: {  	s6 =	sld [smem:$0x3FB4]  }
0x2c: {  	s7 =	sld [smem:$0x3FB5]  }
0x2d: {  	s3 =	simm.s32 $0x108;
	s8 =	sld [smem:$0x3FB6]  }
0x2e: {  	s3 =	simm.s32 @!p0 $0x1082;
	s9 =	sld [smem:$0x3FB7]  }
0x2f: {  	lr =	sadd.s32 s0, s3;
	s0 =	sld [smem:$0x3FAE]  }
0x30: {  	s3 =	sld [smem:$0x3FB1]  }
0x31: {  	[smem:$0x3FBA] =	sst s10  }
0x32: {  	s10 =	sld [smem:$0x3FB8];
	_ =	sdelay $0x3  }
0x33: {  	p0 =	seq.s32 s10, $0x1;
	s10 =	sld [smem:$0x3FBA];
	_ =	sdelay $0x3  }
0x34: {  	[smem:$0x3FBA] =	sst s10  }
0x35: {  	s10 =	sld [smem:$0x3FB9];
	_ =	sdelay $0x3  }
0x36: {  	p1 =	seq.s32 s10, $0x1;
	s10 =	sld [smem:$0x3FBA];
	_ =	sdelay $0x3  }
0x37: {  	[smem:$0x3FBA] =	sst s10  }
0x38: {  	s10 =	sld [smem:$0x3FBB]  }
0x39: {  	_ = 	snop;
	(pc) =	sbr.ind lr, $3  }
0x3a: {  	_ = 	snop  }
0x3b: {  	_ = 	snop  }
0x3c: {  	p2 =	seq.s32 s10, $0x1;
	s10 =	sld [smem:$0x3FBA]  }
0x3d: {  	_ =	shalt  }
0x3e: {  	_ =	shalt  }
0x3f: {  	_ =	shalt  }
0x40: {  	_ =	shalt  }
0x41: {  	_ =	shalt  }
0x42: {  	_ =	shalt  }
0x43: {  	_ =	shalt  }
0x44: {  	_ =	shalt  }
0x45: {  	_ =	shalt  }
0x46: {  	_ =	shalt  }
0x47: {  	_ =	shalt  }
0x48: {  	_ =	shalt  }
0x49: {  	_ =	shalt  }
0x4a: {  	_ =	shalt  }
0x4b: {  	_ =	shalt  }
0x4c: {  	_ =	shalt  }
0x4d: {  	_ =	shalt  }
0x4e: {  	_ =	shalt  }
0x4f: {  	_ =	shalt  }
0x50: {  	_ =	shalt  }
0x51: {  	_ =	shalt  }
0x52: {  	_ =	shalt  }
0x53: {  	_ =	shalt  }
0x54: {  	_ =	shalt  }
0x55: {  	_ =	shalt  }
0x56: {  	_ =	shalt  }
0x57: {  	_ =	shalt  }
0x58: {  	_ =	shalt  }
0x59: {  	_ =	shalt  }
0x5a: {  	_ =	shalt  }
0x5b: {  	_ =	shalt  }
0x5c: {  	_ =	shalt  }
0x5d: {  	_ =	shalt  }
0x5e: {  	_ =	shalt  }
0x5f: {  	_ =	shalt  }
0x60: {  	_ =	shalt  }
0x61: {  	_ =	shalt  }
0x62: {  	_ =	shalt  }
0x63: {  	_ =	shalt  }
0x64: {  	_ =	shalt  }
0x65: {  	_ =	shalt  }
0x66: {  	_ =	shalt  }
0x67: {  	_ =	shalt  }
0x68: {  	_ =	shalt  }
0x69: {  	_ =	shalt  }
0x6a: {  	_ =	shalt  }
0x6b: {  	_ =	shalt  }
0x6c: {  	_ =	shalt  }
0x6d: {  	_ =	shalt  }
0x6e: {  	_ =	shalt  }
0x6f: {  	_ =	shalt  }
0x70: {  	_ =	shalt  }
0x71: {  	_ =	shalt  }
0x72: {  	_ =	shalt  }
0x73: {  	_ =	shalt  }
0x74: {  	_ =	shalt  }
0x75: {  	_ =	shalt  }
0x76: {  	_ =	shalt  }
0x77: {  	_ =	shalt  }
0x78: {  	_ =	shalt  }
0x79: {  	_ =	shalt  }
0x7a: {  	_ =	shalt  }
0x7b: {  	_ =	shalt  }
0x7c: {  	_ =	shalt  }
0x7d: {  	_ =	shalt  }
0x7e: {  	_ =	shalt  }
0x7f: {  	_ =	shalt  }
0x80: {  	_ =	shalt  }
0x81: {  	_ =	shalt  }
0x82: {  	_ =	shalt  }
0x83: {  	_ =	shalt  }
0x84: {  	_ =	shalt  }
0x85: {  	_ =	shalt  }
0x86: {  	_ =	shalt  }
0x87: {  	_ =	shalt  }
.Lfunc_end0:
.L_simem_size_0:
called_computation.2_lowered:
.L_overlay_start_0:
0x88: {  	s2 =	sld [smem:$0x3FD9]  }
0x89: {  	s3 =	sld [smem:$0x3FFE];
	_ =	sdelay $0x1  }
0x8a: {  	s1 =	srdreg.scid  }
0x8b: {  	s0 =	sand.u32 $0x1, s1  }
0x8c: {  	s17 =	sshll.u32 s0, $0xA;
	s2 =	sadd.s32 s3, s2  }
0x8d: {  	s2 =	sadd.s32 s2, s17  }
0x8e: {  	[smem:$0x3FC6] =	sst s2  }
0x8f: {  	_ = 	snop  }
0x90: {  	(tm) =	ssettm $0x1  }
0x91: {  	s18 =	sld [smem:$0x3FFB];
	_ =	sdelay $0x3  }
0x92: {  	_ =	strace s18  }
0x93: {  	s2 =	sld [smem:$0x3FFC];
	_ =	sdelay $0x3  }
0x94: {  	_ =	strace s2  }
0x95: {  	s2 =	sld [smem:$0x3FFD];
	_ =	sdelay $0x3  }
0x96: {  	_ =	strace s2  }
0x97: {  	_ =	strace $0x8FFFFFFF  }
0x98: {  	s19 =	sld [smem:$0x3FDB];
	_ =	sdelay $0x1  }
0x99: {  	s20 =	simm.s32 $_scs_section_size  }
0x9a: {  	s4 =	simm.s32 $_size__tile_overlayer_lowered;
	s5 =	simm.s32 $_tile_overlayer_lowered  }
0x9b: {  	s6 =	simm.s32 $0x1BFF;
	s21 =	sshll.u32 s5, $0x1;
	s3 =	sadd.s32 s20, s19  }
0x9c: {  	s22 =	simm.s32 $0x0;
	s4 =	sshll.u32 s4, $0x1;
	s5 =	sadd.s32 s21, s3  }
0x9d: {  	[timem:s22], [sflag:s6] =	dma.local [hbm:s5], s4  }
0x9e: {  	_ =	swait.ge [sflag:s6], s4  }
0x9f: {  	s4 =	ssub.s32 $0x0, s4;
	[sflag:s6] =	ssyncset.done $0x0  }
0xa0: {  	[sflag:s6] =	ssyncadd.s32 s4;
	_ =	sdelay $0x1  }
0xa1: {  	s23 =	simm.s32 $0x1B8B  }
0xa2: {  	_ =	swait.ge [sflag:s23], $0x1  }
0xa3: {  	[sflag:s23] =	ssyncset.done $0x0  }
0xa4: {  	[sflag:s23] =	ssyncadd.s32 $0xFFFFFFFF  }
0xa5: {  	s4 =	sld [smem:$0x0]  }
0xa6: {  	s5 =	sand.u32 $0xFFFFFFFE, s1  }
0xa7: {  	p0 =	sne.s32 s1, s5  }
0xa8: {  	s5 =	sshll.u32 @p0 s5, $0xE  }
0xa9: {  	s5 =	sadd.s32 @p0 $0x11B8D, s5;
	s6 =	sshll.u32 @p0 s4, $0x11  }
0xaa: {  	s5 =	sor.u32 @p0 s6, s5  }
0xab: {  	[sflag:s5] =	ssyncadd.remote.s32 @p0 $0x1;
	_ =	sdelay $0x1  }
0xac: {  	s5 =	simm.s32 @p0 $0x1B8D  }
0xad: {  	_ =	swait.eq @p0 [sflag:s5], $0x1  }
0xae: {  	[sflag:s5] =	ssyncadd.s32 @p0 $0xFFFFFFFF  }
0xaf: {  	s6 =	sshll.u32 @!p0 s1, $0xE  }
0xb0: {  	s6 =	sor.u32 @!p0 $0x4000, s6;
	s5 =	simm.s32 @!p0 $0x1B8D  }
0xb1: {  	s4 =	sshll.u32 @!p0 s4, $0x11;
	s6 =	sadd.s32 @!p0 $0x11B8D, s6;
	_ =	swait.eq @!p0 [sflag:s5], $0x1  }
0xb2: {  	s4 =	sor.u32 @!p0 s4, s6;
	[sflag:s5] =	ssyncadd.s32 @!p0 $0xFFFFFFFF  }
0xb3: {  	s25 =	simm.s32 $0x1B8E;
	s24 =	sld [smem:$0x3FFE];
	[sflag:s4] =	ssyncadd.remote.s32 @!p0 $0x1  }
0xb4: {  	s26 =	simm.s32 $execute0_lowered;
	[smem:$0x3FD2] =	sst s25  }
0xb5: {  	s5 =	sshll.u32 s26, $0x1;
	_ =	strace $0x8000004C;
	[dreg:$0x1] =	wrdreg $0xFFFFFFFF  }
0xb6: {  	s28 =	simm.s32 $_size_execute0_lowered;
	s3 =	sadd.s32 s3, s5;
	[dreg:$0x0] =	wrdreg $0x0  }
0xb7: {  	s5 =	sshll.u32 s28, $0x1;
	[dreg:$0x2] =	wrdreg s3  }
0xb8: {  	[dreg:$0x3] =	wrdreg s5  }
0xb9: {  	[dreg:$0x4] =	wrdreg $0xC0  }
0xba: {  	_ =	task [dreg:s22], $0x5FFFF  }
0xbb: {  	[dreg:$0x1] =	wrdreg $0xFFFFFFFF  }
0xbc: {  	[dreg:$0x0] =	wrdreg $0x60  }
0xbd: {  	[dreg:$0x2] =	wrdreg s24  }
0xbe: {  	[dreg:$0x3] =	wrdreg $0xB  }
0xbf: {  	_ =	task.clear_ibuf [dreg:s22], $0x4FFFF;
	_ =	strace $0x9000004C  }
0xc0: {  	s29 =	simm.s32 $0xB;
	_ =	strace $0x8000004E  }
0xc1: {  	_ =	swait.ge [sflag:s29], $0x1  }
0xc2: {  	[sflag:s29] =	ssyncadd.s32 $0xFFFFFFFF  }
0xc3: {  	_ =	strace $0x9000004E  }
0xc4: {  	_ =	sfence  }
0xc5: {  	s30 =	sld [smem:$0x0];
	_ =	sdelay $0x2  }
0xc6: {  	s31 =	sshll.u32 s1, $0xD;
	s1 =	sshrl.u32 s1, $0x2  }
0xc7: {  	s4 =	sand.u32 $0x4000, s31;
	s1 =	sadd.s32 s1, s30  }
0xc8: {  	s0 =	sor.u32 s4, s0;
	s1 =	sshll.u32 s1, $0x11  }
0xc9: {  	s0 =	sor.u32 s1, s0  }
0xca: {  	s0 =	sadd.s32 $0x8F2B, s0  }
0xcb: {  	[sflag:s0] =	ssyncadd.remote.s32 $0x1  }
0xcc: {  	_ =	sfence.sel $0xFFFF  }
0xcd: {  	[dreg:$0x0] =	wrdreg $0xFFFFFFFF;
	(pc) =	sbr.abs _section_cstart, $3  }
0xce: {  	[dreg:$0x1] =	wrdreg $0xFFFFFFFF  }
0xcf: {  	_ =	task.clear_ibuf [dreg:s22], $0x2FFFF;
	_ =	strace $0x9FFFFFFF  }
0xd0: {  	(tm) =	ssettm $0x7FFFFFFF  }
0xd1: {  	_ =	shalt  }
tec
execute0_lowered:
.L_overlay_start_1:
0x0: {  	(tag) =	ssettag $0x1  }
0x1: {  	s1 =	srdreg.scid  }
0x2: {  	s0 =	stileid.u32;
	s11 =	sand.u32 $0x1, s1  }
0x3: {  	s31 =	sshll.u32 s0, $0xA;
	s2 =	sshll.u32 s11, $0x9  }
0x4: {  	s10 =	rddreg [dreg:$0x0];
	s12 =	sor.u32 s2, s31  }
0x5: {  	s1 =	rddreg [dreg:$0x1];
	s2 =	simm.s32 $0x0;
	s3 =	sshrl.u32 s12, $0x3  }
0x6: {  	[smem:$0x7FF] =	sst s2;
	s3 =	sadd.s32 s3, s10  }
0x7: {  	_ =	strace $0x8000004D;
	s4 =	sadd.s32 $0x87200, s3;
	s3 =	simm.s32 $0x3  }
0x8: {  	[tilespmem:s2], [sflag:$0x3] =	stream.linear.gather [hbm4b:s4+s2], $0x200, $0x38;
	[tilespmem:$0x10200] =	vst v63  }
0x9: {  	_ =	swait.ge [sflag:s3], $0x200  }
0xa: {  	s6 =	simm.s32 $0x100;
	[sflag:s3] =	ssyncset.done $0x0  }
0xb: {  	s7 =	simm.s32 $0x200;
	s5 =	sadd.s32 $0x2A00, s10;
	[sflag:s3] =	ssyncadd.s32 $0xFFFFFE00  }
0xc: {  	[tilespmem:s7], [sflag:$0x1] =	stream.indirect.gather [hbm4b:s5+s6], $0x80, s2, s6, $0xb8;
	[tilespmem:$0x10200] =	vst v63  }
0xd: {  	s8 =	simm.s32 $0x8200;
	s9 =	simm.s32 $0x1  }
0xe: {  	[tilespmem:s8], [sflag:$0x2] =	stream.indirect.gather [hbm4b:s5+s6], $0x80, s6, s6, $0xb8;
	[tilespmem:$0x10200] =	vst v63  }
0xf: {  	s12 =	sshll.u32 s12, $0x4;
	_ =	swait.ge [sflag:s9], $0x8000  }
0x10: {  	s12 =	sadd.s32 s12, s10;
	[sflag:s9] =	ssyncset.done $0x0  }
0x11: {  	s13 =	ssub.s32 $0x2, s11;
	s10 =	sadd.s32 $0x87A00, s12;
	[sflag:s9] =	ssyncadd.s32 $0xFFFF8000  }
0x12: {  	[hbm4b:s10+s2] =	stream.linear.scatter [tilespmem:s7], [sflag:$0x3], $0x8000, $0x38;
	[tilespmem:$0x10200] =	vst v63  }
0x13: {  	s14 =	sshrl.u32 s13, $0x1;
	_ =	swait.ge [sflag:s3], $0x8000  }
0x14: {  	s13 =	ssub.s32 s13, s14;
	[sflag:s3] =	ssyncset.done $0x0  }
0x15: {  	s11 =	simm.s32 $0x2;
	s13 =	smax.u32 s13, $0x1;
	[sflag:s3] =	ssyncadd.s32 $0xFFFF8000  }
0x16: {  	p0 =	sne.s32 s13, $0x1;
	_ =	swait.ge [sflag:s11], $0x8000  }
.Ltmp0:
0x17: {  	[sflag:s11] =	ssyncset.done $0x0;
	(pc) =	sbr.rel @!p0 .LBB2_2-.Ltmp0, $4  }
0x18: {  	s12 =	sadd.s32 $0x88A00, s12;
	[sflag:s11] =	ssyncadd.s32 $0xFFFF8000  }
0x19: {  	[hbm4b:s12+s2] =	stream.linear.scatter [tilespmem:s8], [sflag:$0x3], $0x8000, $0x38;
	[tilespmem:$0x10200] =	vst v63  }
0x1a: {  	_ =	swait.ge [sflag:s3], $0x8000  }
0x1b: {  	s13 =	sadd.s32 $0xFFFFFFFF, s13;
	[sflag:s3] =	ssyncset.done $0x0  }
.LBB2_1:
0x1c: {  	p0 =	sne.s32 s13, $0x1;
	s13 =	sadd.s32 $0xFFFFFFFF, s13;
	[sflag:s3] =	ssyncadd.s32 $0xFFFF8000  }
0x1d: {  	[tilespmem:s2], [sflag:$0x3] =	stream.linear.gather [hbm4b:s4+s2], $0x200, $0x38;
	[tilespmem:$0x10200] =	vst v63  }
0x1e: {  	_ =	swait.ge [sflag:s3], $0x200  }
0x1f: {  	[sflag:s3] =	ssyncset.done $0x0  }
0x20: {  	[sflag:s3] =	ssyncadd.s32 $0xFFFFFE00  }
0x21: {  	[tilespmem:s7], [sflag:$0x1] =	stream.indirect.gather [hbm4b:s5+s6], $0x80, s2, s6, $0xb8;
	[tilespmem:$0x10200] =	vst v63  }
0x22: {  	_ = 	snop  }
0x23: {  	[tilespmem:s8], [sflag:$0x2] =	stream.indirect.gather [hbm4b:s5+s6], $0x80, s6, s6, $0xb8;
	[tilespmem:$0x10200] =	vst v63  }
0x24: {  	_ =	swait.ge [sflag:s9], $0x8000  }
0x25: {  	[sflag:s9] =	ssyncset.done $0x0  }
0x26: {  	[sflag:s9] =	ssyncadd.s32 $0xFFFF8000  }
0x27: {  	[hbm4b:s10+s2] =	stream.linear.scatter [tilespmem:s7], [sflag:$0x3], $0x8000, $0x38;
	[tilespmem:$0x10200] =	vst v63  }
0x28: {  	_ =	swait.ge [sflag:s3], $0x8000  }
0x29: {  	[sflag:s3] =	ssyncset.done $0x0  }
0x2a: {  	[sflag:s3] =	ssyncadd.s32 $0xFFFF8000  }
0x2b: {  	_ =	swait.ge [sflag:s11], $0x8000  }
.Ltmp1:
0x2c: {  	[sflag:s11] =	ssyncset.done $0x0;
	(pc) =	sbr.rel @p0 .LBB2_1-.Ltmp1, $4  }
0x2d: {  	[sflag:s11] =	ssyncadd.s32 $0xFFFF8000  }
0x2e: {  	[hbm4b:s12+s2] =	stream.linear.scatter [tilespmem:s8], [sflag:$0x3], $0x8000, $0x38;
	[tilespmem:$0x10200] =	vst v63  }
0x2f: {  	_ =	swait.ge [sflag:s3], $0x8000  }
0x30: {  	[sflag:s3] =	ssyncset.done $0x0  }
.LBB2_2:
0x31: {  	[sflag:s3] =	ssyncadd.s32 $0xFFFF8000  }
0x32: {  	_ =	sfence.sel $0x180000  }
0x33: {  	[bflag:$0x0] =	sbarrier.arrive $0xFFFF  }
0x34: {  	p0 =	sne.s32 s0, $0x0;
	_ =	strace $0x9000004D  }
0x35: {  	s0 =	sadd.s32 @!p0 $0x100000, s1;
	[bflag:$0x2] =	sbarrier.arrive $0xFFFF  }
0x36: {  	[sflag:s0] =	ssyncadd.tile.s32 @!p0 $0x1;
	_ =	shalt  }
.Lfunc_end2:
_tile_overlayer_lowered:
.L_overlay_start_2:
0x37: {  	(tag) =	ssettag $0x2  }
0x38: {  	s0 =	rddreg [dreg:$0x0];
	s2 =	stileid.u32  }
0x39: {  	s1 =	rddreg [dreg:$0x1];
	p0 =	sne.s32 s2, $0x0  }
0x3a: {  	s3 =	rddreg [dreg:$0x2];
	[bflag:$0x3] =	sbarrier.arrive $0xFFFF;
	s2 =	simm.s32 @!p0 $0x1C03  }
0x3b: {  	[timem:s3], [sflag:s2] =	dma.local @!p0 [hbm:s0], s1  }
0x3c: {  	s0 =	simm.s32 @!p0 $0x3  }
0x3d: {  	_ =	swait.ge @!p0 [sflag:s0], s1  }
0x3e: {  	s1 =	ssub.s32 @!p0 $0x0, s1;
	[sflag:s0] =	ssyncset.done @!p0 $0x0  }
0x3f: {  	[sflag:s0] =	ssyncadd.s32 @!p0 s1  }
0x40: {  	[bflag:$0x3] =	sbarrier.arrive $0xFFFF  }
0x41: {  	_ =	shalt  }

// kernel: kernel.19.cloned.1.call-start
scs
__scs_entry_jumppad:
0x0: {  	(pc) =	sbr.rel $0x88, $3  }
0x1: {  	(tag) =	ssettag $0x0;
	lr =	simm.s32 $0x1  }
0x2: {  	[smem:$0x3F9F] =	sst lr;
	_ =	strace $0xD0000000  }
0x3: {  	_ = 	snop  }
0x4: {  	_ = 	snop  }
0x5: {  	_ = 	snop  }
0x6: {  	_ = 	snop  }
0x7: {  	_ = 	snop  }
__scs_overlays_trampoline_lowered:
0x8: {  	[smem:$0x3FAE] =	sst s0  }
0x9: {  	[smem:$0x3FAF] =	sst s1  }
0xa: {  	[smem:$0x3FB0] =	sst s2  }
0xb: {  	[smem:$0x3FB1] =	sst s3  }
0xc: {  	[smem:$0x3FB2] =	sst s4  }
0xd: {  	[smem:$0x3FB3] =	sst s5  }
0xe: {  	[smem:$0x3FB4] =	sst s6  }
0xf: {  	[smem:$0x3FB5] =	sst s7  }
0x10: {  	[smem:$0x3FB6] =	sst s8  }
0x11: {  	[smem:$0x3FB7] =	sst s9;
	s0 =	simm.s32 @!p0 $0x0  }
0x12: {  	s1 =	sld [smem:$0x3F9D];
	s0 =	simm.s32 @p0 $0x1  }
0x13: {  	[smem:$0x3FB8] =	sst s0;
	s0 =	simm.s32 @!p1 $0x0  }
0x14: {  	s2 =	sld [smem:$0x3F9C];
	s0 =	simm.s32 @p1 $0x1  }
0x15: {  	[smem:$0x3FB9] =	sst s0;
	s0 =	simm.s32 @!p2 $0x0  }
0x16: {  	s3 =	sld [smem:$0x3FDB];
	s0 =	simm.s32 @p2 $0x1  }
0x17: {  	s4 =	simm.s32 $0x1BF5;
	[smem:$0x3FBB] =	sst s0  }
0x18: {  	s0 =	sld [smem:$0x3F9E];
	_ =	swait.ge [sflag:s4], $0x0  }
0x19: {  	s7 =	sld [smem:$0x3F9F]  }
0x1a: {  	s8 =	sadd.s32 $0xFFFFE003, lr  }
0x1b: {  	s9 =	sadd.s32 $0xFFFFFEF7, lr;
	s5 =	simm.s32 $0xFFFFFFFF;
	p2 =	slt.u32 s8, $0xFFFFF086  }
0x1c: {  	p1 =	slt.u32 s9, $0xF7A;
	s5 =	simm.s32 @!p2 $0x0  }
0x1d: {  	s5 =	simm.s32 @p1 $0x1;
	p0 =	seq.s32 s7, s2  }
0x1e: {  	s7 =	smul.u32 @!p0 $0xF7A, s2;
	p2 =	seq.s32 @!p0 s5, $0x0  }
0x1f: {  	s9 =	smul.u32 $0xF7A, s1;
	s8 =	simm.s32 @!p0 $0x1BF5;
	p2 =	por !p2, p0  }
0x20: {  	[sflag:s8] =	ssyncset.s32 @!p0 $0xFFFFF086;
	s6 =	sadd.s32 @!p0 s3, s7;
	s7 =	simm.s32 @!p0 $0x108  }
0x21: {  	s3 =	sadd.s32 s3, s9;
	s6 =	sadd.s32 @!p0 $0x88, s6;
	s7 =	simm.s32 @p2 $0x1082  }
0x22: {  	[simem:s7], [sflag:s8] =	dma.local @!p0 [hbm:s6], $0xF7A  }
0x23: {  	s9 =	sor.u32 $0xD0000000, s2;
	s6 =	simm.s32 $0x108;
	_ =	swait.ge @!p0 [sflag:s8], $0x0  }
0x24: {  	s3 =	sadd.s32 $0x88, s3;
	s6 =	simm.s32 @!p1 $0x1082;
	[sflag:s4] =	ssyncset.s32 $0xFFFFF086  }
0x25: {  	[simem:s6], [sflag:s4] =	dma.local [hbm:s3], $0xF7A  }
0x26: {  	[smem:$0x3F9F] =	sst s1;
	(tag) =	ssettag s2;
	_ =	strace s9  }
0x27: {  	s1 =	sld [smem:$0x3FAF]  }
0x28: {  	s2 =	sld [smem:$0x3FB0]  }
0x29: {  	s4 =	sld [smem:$0x3FB2]  }
0x2a: {  	p0 =	seq.s32 s5, $0x0;
	s5 =	sld [smem:$0x3FB3]  }
0x2b: {  	s6 =	sld [smem:$0x3FB4]  }
0x2c: {  	s7 =	sld [smem:$0x3FB5]  }
0x2d: {  	s3 =	simm.s32 $0x108;
	s8 =	sld [smem:$0x3FB6]  }
0x2e: {  	s3 =	simm.s32 @!p0 $0x1082;
	s9 =	sld [smem:$0x3FB7]  }
0x2f: {  	lr =	sadd.s32 s0, s3;
	s0 =	sld [smem:$0x3FAE]  }
0x30: {  	s3 =	sld [smem:$0x3FB1]  }
0x31: {  	[smem:$0x3FBA] =	sst s10  }
0x32: {  	s10 =	sld [smem:$0x3FB8];
	_ =	sdelay $0x3  }
0x33: {  	p0 =	seq.s32 s10, $0x1;
	s10 =	sld [smem:$0x3FBA];
	_ =	sdelay $0x3  }
0x34: {  	[smem:$0x3FBA] =	sst s10  }
0x35: {  	s10 =	sld [smem:$0x3FB9];
	_ =	sdelay $0x3  }
0x36: {  	p1 =	seq.s32 s10, $0x1;
	s10 =	sld [smem:$0x3FBA];
	_ =	sdelay $0x3  }
0x37: {  	[smem:$0x3FBA] =	sst s10  }
0x38: {  	s10 =	sld [smem:$0x3FBB]  }
0x39: {  	_ = 	snop;
	(pc) =	sbr.ind lr, $3  }
0x3a: {  	_ = 	snop  }
0x3b: {  	_ = 	snop  }
0x3c: {  	p2 =	seq.s32 s10, $0x1;
	s10 =	sld [smem:$0x3FBA]  }
0x3d: {  	_ =	shalt  }
0x3e: {  	_ =	shalt  }
0x3f: {  	_ =	shalt  }
0x40: {  	_ =	shalt  }
0x41: {  	_ =	shalt  }
0x42: {  	_ =	shalt  }
0x43: {  	_ =	shalt  }
0x44: {  	_ =	shalt  }
0x45: {  	_ =	shalt  }
0x46: {  	_ =	shalt  }
0x47: {  	_ =	shalt  }
0x48: {  	_ =	shalt  }
0x49: {  	_ =	shalt  }
0x4a: {  	_ =	shalt  }
0x4b: {  	_ =	shalt  }
0x4c: {  	_ =	shalt  }
0x4d: {  	_ =	shalt  }
0x4e: {  	_ =	shalt  }
0x4f: {  	_ =	shalt  }
0x50: {  	_ =	shalt  }
0x51: {  	_ =	shalt  }
0x52: {  	_ =	shalt  }
0x53: {  	_ =	shalt  }
0x54: {  	_ =	shalt  }
0x55: {  	_ =	shalt  }
0x56: {  	_ =	shalt  }
0x57: {  	_ =	shalt  }
0x58: {  	_ =	shalt  }
0x59: {  	_ =	shalt  }
0x5a: {  	_ =	shalt  }
0x5b: {  	_ =	shalt  }
0x5c: {  	_ =	shalt  }
0x5d: {  	_ =	shalt  }
0x5e: {  	_ =	shalt  }
0x5f: {  	_ =	shalt  }
0x60: {  	_ =	shalt  }
0x61: {  	_ =	shalt  }
0x62: {  	_ =	shalt  }
0x63: {  	_ =	shalt  }
0x64: {  	_ =	shalt  }
0x65: {  	_ =	shalt  }
0x66: {  	_ =	shalt  }
0x67: {  	_ =	shalt  }
0x68: {  	_ =	shalt  }
0x69: {  	_ =	shalt  }
0x6a: {  	_ =	shalt  }
0x6b: {  	_ =	shalt  }
0x6c: {  	_ =	shalt  }
0x6d: {  	_ =	shalt  }
0x6e: {  	_ =	shalt  }
0x6f: {  	_ =	shalt  }
0x70: {  	_ =	shalt  }
0x71: {  	_ =	shalt  }
0x72: {  	_ =	shalt  }
0x73: {  	_ =	shalt  }
0x74: {  	_ =	shalt  }
0x75: {  	_ =	shalt  }
0x76: {  	_ =	shalt  }
0x77: {  	_ =	shalt  }
0x78: {  	_ =	shalt  }
0x79: {  	_ =	shalt  }
0x7a: {  	_ =	shalt  }
0x7b: {  	_ =	shalt  }
0x7c: {  	_ =	shalt  }
0x7d: {  	_ =	shalt  }
0x7e: {  	_ =	shalt  }
0x7f: {  	_ =	shalt  }
0x80: {  	_ =	shalt  }
0x81: {  	_ =	shalt  }
0x82: {  	_ =	shalt  }
0x83: {  	_ =	shalt  }
0x84: {  	_ =	shalt  }
0x85: {  	_ =	shalt  }
0x86: {  	_ =	shalt  }
0x87: {  	_ =	shalt  }
.Lfunc_end0:
.L_simem_size_0:
called_computation.3_lowered:
.L_overlay_start_0:
0x88: {  	s2 =	sld [smem:$0x3FD9]  }
0x89: {  	s3 =	sld [smem:$0x3FFE];
	_ =	sdelay $0x1  }
0x8a: {  	s1 =	srdreg.scid  }
0x8b: {  	s0 =	sand.u32 $0x1, s1  }
0x8c: {  	s17 =	sshll.u32 s0, $0xA;
	s2 =	sadd.s32 s3, s2  }
0x8d: {  	s2 =	sadd.s32 s2, s17  }
0x8e: {  	[smem:$0x3FC6] =	sst s2  }
0x8f: {  	_ = 	snop  }
0x90: {  	(tm) =	ssettm $0x1  }
0x91: {  	s18 =	sld [smem:$0x3FFB];
	_ =	sdelay $0x3  }
0x92: {  	_ =	strace s18  }
0x93: {  	s2 =	sld [smem:$0x3FFC];
	_ =	sdelay $0x3  }
0x94: {  	_ =	strace s2  }
0x95: {  	s2 =	sld [smem:$0x3FFD];
	_ =	sdelay $0x3  }
0x96: {  	_ =	strace s2  }
0x97: {  	_ =	strace $0x8FFFFFFF  }
0x98: {  	s19 =	sld [smem:$0x3FDB];
	_ =	sdelay $0x1  }
0x99: {  	s20 =	simm.s32 $_scs_section_size  }
0x9a: {  	s4 =	simm.s32 $_size__tile_overlayer_lowered;
	s5 =	simm.s32 $_tile_overlayer_lowered  }
0x9b: {  	s6 =	simm.s32 $0x1BFF;
	s21 =	sshll.u32 s5, $0x1;
	s3 =	sadd.s32 s20, s19  }
0x9c: {  	s22 =	simm.s32 $0x0;
	s4 =	sshll.u32 s4, $0x1;
	s5 =	sadd.s32 s21, s3  }
0x9d: {  	[timem:s22], [sflag:s6] =	dma.local [hbm:s5], s4  }
0x9e: {  	_ =	swait.ge [sflag:s6], s4  }
0x9f: {  	s4 =	ssub.s32 $0x0, s4;
	[sflag:s6] =	ssyncset.done $0x0  }
0xa0: {  	[sflag:s6] =	ssyncadd.s32 s4;
	_ =	sdelay $0x1  }
0xa1: {  	s23 =	simm.s32 $0x1B8B  }
0xa2: {  	_ =	swait.ge [sflag:s23], $0x1  }
0xa3: {  	[sflag:s23] =	ssyncset.done $0x0  }
0xa4: {  	[sflag:s23] =	ssyncadd.s32 $0xFFFFFFFF  }
0xa5: {  	s4 =	sld [smem:$0x0]  }
0xa6: {  	s5 =	sand.u32 $0xFFFFFFFE, s1  }
0xa7: {  	p0 =	sne.s32 s1, s5  }
0xa8: {  	s5 =	sshll.u32 @p0 s5, $0xE  }
0xa9: {  	s5 =	sadd.s32 @p0 $0x11B8D, s5;
	s6 =	sshll.u32 @p0 s4, $0x11  }
0xaa: {  	s5 =	sor.u32 @p0 s6, s5  }
0xab: {  	[sflag:s5] =	ssyncadd.remote.s32 @p0 $0x1;
	_ =	sdelay $0x1  }
0xac: {  	s5 =	simm.s32 @p0 $0x1B8D  }
0xad: {  	_ =	swait.eq @p0 [sflag:s5], $0x1  }
0xae: {  	[sflag:s5] =	ssyncadd.s32 @p0 $0xFFFFFFFF  }
0xaf: {  	s6 =	sshll.u32 @!p0 s1, $0xE  }
0xb0: {  	s6 =	sor.u32 @!p0 $0x4000, s6;
	s5 =	simm.s32 @!p0 $0x1B8D  }
0xb1: {  	s4 =	sshll.u32 @!p0 s4, $0x11;
	s6 =	sadd.s32 @!p0 $0x11B8D, s6;
	_ =	swait.eq @!p0 [sflag:s5], $0x1  }
0xb2: {  	s4 =	sor.u32 @!p0 s4, s6;
	[sflag:s5] =	ssyncadd.s32 @!p0 $0xFFFFFFFF  }
0xb3: {  	s25 =	simm.s32 $0x1B8E;
	s24 =	sld [smem:$0x3FFE];
	[sflag:s4] =	ssyncadd.remote.s32 @!p0 $0x1  }
0xb4: {  	s26 =	simm.s32 $execute0_lowered;
	[smem:$0x3FD2] =	sst s25  }
0xb5: {  	s5 =	sshll.u32 s26, $0x1;
	_ =	strace $0x80000049;
	[dreg:$0x1] =	wrdreg $0xFFFFFFFF  }
0xb6: {  	s28 =	simm.s32 $_size_execute0_lowered;
	s3 =	sadd.s32 s3, s5;
	[dreg:$0x0] =	wrdreg $0x0  }
0xb7: {  	s5 =	sshll.u32 s28, $0x1;
	[dreg:$0x2] =	wrdreg s3  }
0xb8: {  	[dreg:$0x3] =	wrdreg s5  }
0xb9: {  	[dreg:$0x4] =	wrdreg $0xC0  }
0xba: {  	_ =	task [dreg:s22], $0x5FFFF  }
0xbb: {  	[dreg:$0x1] =	wrdreg $0xFFFFFFFF  }
0xbc: {  	[dreg:$0x0] =	wrdreg $0x60  }
0xbd: {  	[dreg:$0x2] =	wrdreg s24  }
0xbe: {  	[dreg:$0x3] =	wrdreg $0xC  }
0xbf: {  	_ =	task.clear_ibuf [dreg:s22], $0x4FFFF;
	_ =	strace $0x90000049  }
0xc0: {  	s29 =	simm.s32 $0xC;
	_ =	strace $0x8000004B  }
0xc1: {  	_ =	swait.ge [sflag:s29], $0x1  }
0xc2: {  	[sflag:s29] =	ssyncadd.s32 $0xFFFFFFFF  }
0xc3: {  	_ =	strace $0x9000004B  }
0xc4: {  	_ =	sfence  }
0xc5: {  	s30 =	sld [smem:$0x0];
	_ =	sdelay $0x2  }
0xc6: {  	s31 =	sshll.u32 s1, $0xD;
	s1 =	sshrl.u32 s1, $0x2  }
0xc7: {  	s4 =	sand.u32 $0x4000, s31;
	s1 =	sadd.s32 s1, s30  }
0xc8: {  	s0 =	sor.u32 s4, s0;
	s1 =	sshll.u32 s1, $0x11  }
0xc9: {  	s0 =	sor.u32 s1, s0  }
0xca: {  	s0 =	sadd.s32 $0x8F2B, s0  }
0xcb: {  	[sflag:s0] =	ssyncadd.remote.s32 $0x1  }
0xcc: {  	_ =	sfence.sel $0xFFFF  }
0xcd: {  	[dreg:$0x0] =	wrdreg $0xFFFFFFFF;
	(pc) =	sbr.abs _section_cstart, $3  }
0xce: {  	[dreg:$0x1] =	wrdreg $0xFFFFFFFF  }
0xcf: {  	_ =	task.clear_ibuf [dreg:s22], $0x2FFFF;
	_ =	strace $0x9FFFFFFF  }
0xd0: {  	(tm) =	ssettm $0x7FFFFFFF  }
0xd1: {  	_ =	shalt  }
tec
execute0_lowered:
.L_overlay_start_1:
0x0: {  	(tag) =	ssettag $0x1  }
0x1: {  	s1 =	srdreg.scid  }
0x2: {  	s0 =	stileid.u32;
	s11 =	sand.u32 $0x1, s1  }
0x3: {  	s31 =	sshll.u32 s0, $0xA;
	s2 =	sshll.u32 s11, $0x9  }
0x4: {  	s10 =	rddreg [dreg:$0x0];
	s12 =	sor.u32 s2, s31  }
0x5: {  	s1 =	rddreg [dreg:$0x1];
	s2 =	simm.s32 $0x0;
	s3 =	sshrl.u32 s12, $0x3  }
0x6: {  	[smem:$0x7FF] =	sst s2;
	s3 =	sadd.s32 s3, s10  }
0x7: {  	_ =	strace $0x8000004A;
	s4 =	sadd.s32 $0x46A00, s3;
	s3 =	simm.s32 $0x3  }
0x8: {  	[tilespmem:s2], [sflag:$0x3] =	stream.linear.gather [hbm4b:s4+s2], $0x200, $0x38;
	[tilespmem:$0x10200] =	vst v63  }
0x9: {  	_ =	swait.ge [sflag:s3], $0x200  }
0xa: {  	s6 =	simm.s32 $0x100;
	[sflag:s3] =	ssyncset.done $0x0  }
0xb: {  	s7 =	simm.s32 $0x200;
	s5 =	sadd.s32 $0x2A00, s10;
	[sflag:s3] =	ssyncadd.s32 $0xFFFFFE00  }
0xc: {  	[tilespmem:s7], [sflag:$0x1] =	stream.indirect.gather [hbm4b:s5+s6], $0x80, s2, s6, $0xb8;
	[tilespmem:$0x10200] =	vst v63  }
0xd: {  	s8 =	simm.s32 $0x8200;
	s9 =	simm.s32 $0x1  }
0xe: {  	[tilespmem:s8], [sflag:$0x2] =	stream.indirect.gather [hbm4b:s5+s6], $0x80, s6, s6, $0xb8;
	[tilespmem:$0x10200] =	vst v63  }
0xf: {  	s12 =	sshll.u32 s12, $0x4;
	_ =	swait.ge [sflag:s9], $0x8000  }
0x10: {  	s12 =	sadd.s32 s12, s10;
	[sflag:s9] =	ssyncset.done $0x0  }
0x11: {  	s13 =	ssub.s32 $0x2, s11;
	s10 =	sadd.s32 $0x47200, s12;
	[sflag:s9] =	ssyncadd.s32 $0xFFFF8000  }
0x12: {  	[hbm4b:s10+s2] =	stream.linear.scatter [tilespmem:s7], [sflag:$0x3], $0x8000, $0x38;
	[tilespmem:$0x10200] =	vst v63  }
0x13: {  	s14 =	sshrl.u32 s13, $0x1;
	_ =	swait.ge [sflag:s3], $0x8000  }
0x14: {  	s13 =	ssub.s32 s13, s14;
	[sflag:s3] =	ssyncset.done $0x0  }
0x15: {  	s11 =	simm.s32 $0x2;
	s13 =	smax.u32 s13, $0x1;
	[sflag:s3] =	ssyncadd.s32 $0xFFFF8000  }
0x16: {  	p0 =	sne.s32 s13, $0x1;
	_ =	swait.ge [sflag:s11], $0x8000  }
.Ltmp0:
0x17: {  	[sflag:s11] =	ssyncset.done $0x0;
	(pc) =	sbr.rel @!p0 .LBB2_2-.Ltmp0, $4  }
0x18: {  	s12 =	sadd.s32 $0x48200, s12;
	[sflag:s11] =	ssyncadd.s32 $0xFFFF8000  }
0x19: {  	[hbm4b:s12+s2] =	stream.linear.scatter [tilespmem:s8], [sflag:$0x3], $0x8000, $0x38;
	[tilespmem:$0x10200] =	vst v63  }
0x1a: {  	_ =	swait.ge [sflag:s3], $0x8000  }
0x1b: {  	s13 =	sadd.s32 $0xFFFFFFFF, s13;
	[sflag:s3] =	ssyncset.done $0x0  }
.LBB2_1:
0x1c: {  	p0 =	sne.s32 s13, $0x1;
	s13 =	sadd.s32 $0xFFFFFFFF, s13;
	[sflag:s3] =	ssyncadd.s32 $0xFFFF8000  }
0x1d: {  	[tilespmem:s2], [sflag:$0x3] =	stream.linear.gather [hbm4b:s4+s2], $0x200, $0x38;
	[tilespmem:$0x10200] =	vst v63  }
0x1e: {  	_ =	swait.ge [sflag:s3], $0x200  }
0x1f: {  	[sflag:s3] =	ssyncset.done $0x0  }
0x20: {  	[sflag:s3] =	ssyncadd.s32 $0xFFFFFE00  }
0x21: {  	[tilespmem:s7], [sflag:$0x1] =	stream.indirect.gather [hbm4b:s5+s6], $0x80, s2, s6, $0xb8;
	[tilespmem:$0x10200] =	vst v63  }
0x22: {  	_ = 	snop  }
0x23: {  	[tilespmem:s8], [sflag:$0x2] =	stream.indirect.gather [hbm4b:s5+s6], $0x80, s6, s6, $0xb8;
	[tilespmem:$0x10200] =	vst v63  }
0x24: {  	_ =	swait.ge [sflag:s9], $0x8000  }
0x25: {  	[sflag:s9] =	ssyncset.done $0x0  }
0x26: {  	[sflag:s9] =	ssyncadd.s32 $0xFFFF8000  }
0x27: {  	[hbm4b:s10+s2] =	stream.linear.scatter [tilespmem:s7], [sflag:$0x3], $0x8000, $0x38;
	[tilespmem:$0x10200] =	vst v63  }
0x28: {  	_ =	swait.ge [sflag:s3], $0x8000  }
0x29: {  	[sflag:s3] =	ssyncset.done $0x0  }
0x2a: {  	[sflag:s3] =	ssyncadd.s32 $0xFFFF8000  }
0x2b: {  	_ =	swait.ge [sflag:s11], $0x8000  }
.Ltmp1:
0x2c: {  	[sflag:s11] =	ssyncset.done $0x0;
	(pc) =	sbr.rel @p0 .LBB2_1-.Ltmp1, $4  }
0x2d: {  	[sflag:s11] =	ssyncadd.s32 $0xFFFF8000  }
0x2e: {  	[hbm4b:s12+s2] =	stream.linear.scatter [tilespmem:s8], [sflag:$0x3], $0x8000, $0x38;
	[tilespmem:$0x10200] =	vst v63  }
0x2f: {  	_ =	swait.ge [sflag:s3], $0x8000  }
0x30: {  	[sflag:s3] =	ssyncset.done $0x0  }
.LBB2_2:
0x31: {  	[sflag:s3] =	ssyncadd.s32 $0xFFFF8000  }
0x32: {  	_ =	sfence.sel $0x180000  }
0x33: {  	[bflag:$0x0] =	sbarrier.arrive $0xFFFF  }
0x34: {  	p0 =	sne.s32 s0, $0x0;
	_ =	strace $0x9000004A  }
0x35: {  	s0 =	sadd.s32 @!p0 $0x100000, s1;
	[bflag:$0x2] =	sbarrier.arrive $0xFFFF  }
0x36: {  	[sflag:s0] =	ssyncadd.tile.s32 @!p0 $0x1;
	_ =	shalt  }
.Lfunc_end2:
_tile_overlayer_lowered:
.L_overlay_start_2:
0x37: {  	(tag) =	ssettag $0x2  }
0x38: {  	s0 =	rddreg [dreg:$0x0];
	s2 =	stileid.u32  }
0x39: {  	s1 =	rddreg [dreg:$0x1];
	p0 =	sne.s32 s2, $0x0  }
0x3a: {  	s3 =	rddreg [dreg:$0x2];
	[bflag:$0x3] =	sbarrier.arrive $0xFFFF;
	s2 =	simm.s32 @!p0 $0x1C03  }
0x3b: {  	[timem:s3], [sflag:s2] =	dma.local @!p0 [hbm:s0], s1  }
0x3c: {  	s0 =	simm.s32 @!p0 $0x3  }
0x3d: {  	_ =	swait.ge @!p0 [sflag:s0], s1  }
0x3e: {  	s1 =	ssub.s32 @!p0 $0x0, s1;
	[sflag:s0] =	ssyncset.done @!p0 $0x0  }
0x3f: {  	[sflag:s0] =	ssyncadd.s32 @!p0 s1  }
0x40: {  	[bflag:$0x3] =	sbarrier.arrive $0xFFFF  }
0x41: {  	_ =	shalt  }

</sc_bundles>
